<compile_context>
chip_gen: v7x
topology: tpu7x:2x2x1
jax: 0.10.2.dev20260603
libtpu: 0.0.44.dev20260713+nightly
codegen_flags: <defaults>
</compile_context>

<pallas_src>
import functools

import jax
import jax.numpy as jnp
from jax import lax
from jax.experimental import pallas as pl
from jax.experimental.pallas import tpu as pltpu
from jax.experimental.pallas import tpu_sc as plsc

B = 4
T = 2048
H = 1024
NC = 2
NS = 16
NW = NC * NS
NQ = 2
BT = T // NQ
TOKQ = B * BT
PW = TOKQ // NW
CH = 32
NCHUNK = PW // CH
NSLOT = 3
EPS = 1e-12


@functools.partial(
    pl.kernel,
    mesh=plsc.VectorSubcoreMesh(core_axis_name="c", subcore_axis_name="s"),
    out_type=jax.ShapeDtypeStruct((TOKQ, H), jnp.float32),
    scratch_types=[
        pltpu.VMEM((PW,), jnp.int32),
        pltpu.VMEM((NSLOT, CH, H), jnp.float32),
        pltpu.SemaphoreType.DMA,
        pltpu.SemaphoreType.DMA,
        pltpu.SemaphoreType.DMA,
        pltpu.SemaphoreType.DMA,
        pltpu.SemaphoreType.DMA,
        pltpu.SemaphoreType.DMA,
    ],
)
def _sc_gather(ids_hbm, wemb_hbm, out_hbm, idx_v, rows_v,
               sg0, sg1, sg2, so0, so1, so2):
    sg = (sg0, sg1, sg2)
    so = (so0, so1, so2)
    c = lax.axis_index("c")
    s = lax.axis_index("s")
    wid = s * NC + c
    base = wid * PW

    pltpu.sync_copy(ids_hbm.at[pl.ds(base, PW)], idx_v)

    def gather_issue(j):
        pltpu.async_copy(wemb_hbm.at[idx_v.at[pl.ds(j * CH, CH)]],
                         rows_v.at[j % NSLOT], sg[j % NSLOT])

    def gather_wait(j):
        pltpu.make_async_copy(wemb_hbm.at[idx_v.at[pl.ds(j * CH, CH)]],
                              rows_v.at[j % NSLOT], sg[j % NSLOT]).wait()

    def out_issue(j):
        pltpu.async_copy(rows_v.at[j % NSLOT],
                         out_hbm.at[pl.ds(base + j * CH, CH)], so[j % NSLOT])

    def out_wait(j):
        pltpu.make_async_copy(rows_v.at[j % NSLOT],
                              out_hbm.at[pl.ds(base + j * CH, CH)],
                              so[j % NSLOT]).wait()

    gather_issue(0)
    gather_issue(1)
    for j in range(NCHUNK):
        if j + 2 < NCHUNK:
            if j >= 1:
                out_wait(j - 1)
            gather_issue(j + 2)
        gather_wait(j)
        out_issue(j)
    out_wait(NCHUNK - 2)
    out_wait(NCHUNK - 1)


def _ln_block(x, g, b):
    mean = jnp.mean(x, axis=-1, keepdims=True)
    xc = x - mean
    var = jnp.mean(xc * xc, axis=-1, keepdims=True)
    return (xc * lax.rsqrt(var + EPS)) * g + b


BTT = 1024
NJ = BT // BTT


def _tc_ln0(emb_ref, pos_ref, g_ref, b_ref, o_ref):
    o_ref[0] = _ln_block(emb_ref[0] + pos_ref[0], g_ref[...], b_ref[...])


def _tc_ln1(emb_ref, pos_ref, g_ref, b_ref, buf_ref, o_ref):
    del buf_ref
    o_ref[0] = _ln_block(emb_ref[0] + pos_ref[0], g_ref[...], b_ref[...])


def kernel(input_ids, word_emb, pos_emb, gamma, beta):
    ids = input_ids.astype(jnp.int32)
    gamma2 = gamma.reshape(1, H)
    beta2 = beta.reshape(1, H)
    pos3 = pos_emb.reshape(NQ, BT, H)

    gathered = [
        _sc_gather(ids[:, q * BT:(q + 1) * BT].reshape(-1), word_emb)
        .reshape(B, BT, H)
        for q in range(NQ)
    ]

    def specs(q):
        return [
            pl.BlockSpec((1, BTT, H), lambda j, b: (b, j, 0)),
            pl.BlockSpec((1, BTT, H), lambda j, b, q=q: (q, j, 0)),
            pl.BlockSpec((1, H), lambda j, b: (0, 0)),
            pl.BlockSpec((1, H), lambda j, b: (0, 0)),
        ]

    out_sds = jax.ShapeDtypeStruct((B, T, H), jnp.float32)
    buf = pl.pallas_call(
        _tc_ln0,
        grid=(NJ, B),
        in_specs=specs(0),
        out_specs=pl.BlockSpec((1, BTT, H), lambda j, b: (b, j, 0)),
        out_shape=out_sds,
    )(gathered[0], pos3, gamma2, beta2)
    for q in range(1, NQ):
        buf = pl.pallas_call(
            _tc_ln1,
            grid=(NJ, B),
            in_specs=specs(q) + [pl.BlockSpec((1, BTT, H),
                                              lambda j, b: (0, 0, 0))],
            out_specs=pl.BlockSpec((1, BTT, H),
                                   lambda j, b, q=q: (b, q * NJ + j, 0)),
            out_shape=out_sds,
            input_output_aliases={4: 0},
        )(gathered[q], pos3, gamma2, beta2, buf)
    return buf

# --- scband reference (transcript-rebuilt; emitter-appended) ---
"""Pipeline reference for scband-bert-embeddings-aa-72859825209756 (READ-ONLY COPY).

The authoritative reference and input builder live on the scoring server;
editing this copy changes nothing except your own understanding.
"""

import jax, jax.numpy as jnp
import numpy as np

VOCAB = 100000
HIDDEN = 1024
MAX_POS = 2048
EPS = 1e-12


def setup_inputs(seed: int = 0) -> dict:
    key = jax.random.key(seed)
    k0, k1, k2 = jax.random.split(key, 3)
    input_ids = jax.random.randint(k0, (4, 2048), 0, VOCAB, dtype=jnp.int64) if jax.config.jax_enable_x64 else jax.random.randint(k0, (4, 2048), 0, VOCAB, dtype=jnp.int32)
    word_emb = jax.random.normal(k1, (VOCAB, HIDDEN), dtype=jnp.float32) * 0.02
    # padding_idx=0 -> zero row, matching nn.Embedding(padding_idx=0)
    word_emb = word_emb.at[0].set(0.0)
    pos_emb = jax.random.normal(k2, (MAX_POS, HIDDEN), dtype=jnp.float32) * 0.02
    gamma = jnp.ones((HIDDEN,), dtype=jnp.float32)
    beta = jnp.zeros((HIDDEN,), dtype=jnp.float32)
    return {"input_ids": input_ids, "word_emb": word_emb, "pos_emb": pos_emb, "gamma": gamma, "beta": beta}


def reference(input_ids, word_emb, pos_emb, gamma, beta):
    seq_length = input_ids.shape[1]
    position_ids = jnp.broadcast_to(jnp.arange(seq_length, dtype=input_ids.dtype)[None, :], input_ids.shape)
    words_embeddings = jnp.take(word_emb, input_ids, axis=0)
    position_embeddings = jnp.take(pos_emb, position_ids, axis=0)
    embeddings = words_embeddings + position_embeddings
    # BertLayerNorm over last dim
    mean = jnp.mean(embeddings, axis=-1, keepdims=True)
    var = jnp.mean(jnp.square(embeddings - mean), axis=-1, keepdims=True)
    normed = (embeddings - mean) / jnp.sqrt(var + EPS)
    out = gamma * normed + beta
    # dropout is identity in eval mode
    return out

if __name__ == "__main__":
    import jax
    _d = setup_inputs()
    print(jax.jit(kernel)(*tuple(_d.values())))

</pallas_src>

<mosaic_0001>
#map = affine_map<(d0, d1) -> (0)>
#map1 = affine_map<(d0, d1) -> (0, 0)>
module attributes {stable_mosaic.version = 14 : i64} {
  func.func @_sc_gather(%arg0: i32, %arg1: i32, %arg2: memref<4096xi32, #tpu.memory_space<hbm>>, %arg3: memref<100000x1024xf32, #tpu.memory_space<hbm>>, %arg4: memref<4096x1024xf32, #tpu.memory_space<hbm>>, %arg5: memref<128xi32, #tpu.memory_space<vmem>>, %arg6: memref<3x32x1024xf32, #tpu.memory_space<vmem>>, %arg7: memref<!tpu.dma_semaphore, #tpu.memory_space<semaphore_mem>>, %arg8: memref<!tpu.dma_semaphore, #tpu.memory_space<semaphore_mem>>, %arg9: memref<!tpu.dma_semaphore, #tpu.memory_space<semaphore_mem>>, %arg10: memref<!tpu.dma_semaphore, #tpu.memory_space<semaphore_mem>>, %arg11: memref<!tpu.dma_semaphore, #tpu.memory_space<semaphore_mem>>, %arg12: memref<!tpu.dma_semaphore, #tpu.memory_space<semaphore_mem>>) attributes {dimension_semantics = [#tpu.dimension_semantics<core_parallel>, #tpu.dimension_semantics<subcore_parallel>], iteration_bounds = array<i64: 2, 16>, scalar_prefetch = 0 : i64, scratch_operands = 8 : i64, tpu.core_type = #tpu.core_type<sc_vector_subcore>, window_params = [{transform_indices = #map}, {transform_indices = #map1}, {transform_indices = #map1}]} {
    %mul3A = arith.constant 2 : i32
    %mul3A_0 = arith.muli %arg1, %mul3A : i32
    %add3A = arith.addi %mul3A_0, %arg0 : i32
    %mul3A_1 = arith.constant 128 : i32
    %mul3A_2 = arith.muli %add3A, %mul3A_1 : i32
    "tpu.region"() ({
      %run_scoped3A = tpu.sem_alloc : memref<!tpu.dma_semaphore, #tpu.memory_space<semaphore_mem>>
      %dma_start3A_186 = tpu.memref_slice %arg2[%mul3A_2] : memref<4096xi32, #tpu.memory_space<hbm>> -> memref<128xi32, #tpu.memory_space<hbm>>
      %dma_start3A_187 = tpu.memref_slice %arg2[%mul3A_2] : memref<4096xi32, #tpu.memory_space<hbm>> -> memref<128xi32, #tpu.memory_space<hbm>>
      tpu.enqueue_dma source(%dma_start3A_187 : memref<128xi32, #tpu.memory_space<hbm>>) target(%arg5 : memref<128xi32, #tpu.memory_space<vmem>>) target_semaphore(%run_scoped3A : memref<!tpu.dma_semaphore, #tpu.memory_space<semaphore_mem>>)
      %dma_wait3A_188 = tpu.memref_slice %arg2[%mul3A_2] : memref<4096xi32, #tpu.memory_space<hbm>> -> memref<128xi32, #tpu.memory_space<hbm>>
      %dma_wait3A_189 = tpu.memref_slice %arg2[%mul3A_2] : memref<4096xi32, #tpu.memory_space<hbm>> -> memref<128xi32, #tpu.memory_space<hbm>>
      tpu.wait_dma2 semaphore(%run_scoped3A : memref<!tpu.dma_semaphore, #tpu.memory_space<semaphore_mem>>) src(%dma_wait3A_189 : memref<128xi32, #tpu.memory_space<hbm>>) dst(%arg5 : memref<128xi32, #tpu.memory_space<vmem>>)
      tpu.yield
    }) : () -> ()
    %dma_start3A = arith.constant 0 : i32
    %dma_start3A_3 = arith.constant 0 : i32
    %dma_start3A_4 = arith.constant 0 : i32
    %dma_start3A_5 = tpu.memref_slice %arg6[%dma_start3A, %dma_start3A_3, %dma_start3A_4] : memref<3x32x1024xf32, #tpu.memory_space<vmem>> -> memref<1x32x1024xf32, #tpu.memory_space<vmem>>
    %dma_start3A_6 = tpu.memref_squeeze %dma_start3A_5 : memref<1x32x1024xf32, #tpu.memory_space<vmem>> -> memref<32x1024xf32, #tpu.memory_space<vmem>>
    %dma_start3A_7 = arith.constant 0 : i32
    %dma_start3A_8 = tpu.memref_slice %arg5[%dma_start3A_7] : memref<128xi32, #tpu.memory_space<vmem>> -> memref<32xi32, #tpu.memory_space<vmem>>
    %dma_start3A_9 = arith.constant 0 : i32
    %dma_start3A_10 = arith.constant 0 : i32
    %dma_start3A_11 = tpu.memref_slice %arg3[%dma_start3A_9, %dma_start3A_10] : memref<100000x1024xf32, #tpu.memory_space<hbm>> -> memref<100000x1024xf32, #tpu.memory_space<hbm>>
    tpu.enqueue_indirect_dma source(%dma_start3A_11 : memref<100000x1024xf32, #tpu.memory_space<hbm>>) target(%dma_start3A_6 : memref<32x1024xf32, #tpu.memory_space<vmem>>) offsets(%dma_start3A_8 : memref<32xi32, #tpu.memory_space<vmem>>) semaphore(%arg7 : memref<!tpu.dma_semaphore, #tpu.memory_space<semaphore_mem>>)
    %dma_start3A_12 = arith.constant 1 : i32
    %dma_start3A_13 = arith.constant 0 : i32
    %dma_start3A_14 = arith.constant 0 : i32
    %dma_start3A_15 = tpu.memref_slice %arg6[%dma_start3A_12, %dma_start3A_13, %dma_start3A_14] : memref<3x32x1024xf32, #tpu.memory_space<vmem>> -> memref<1x32x1024xf32, #tpu.memory_space<vmem>>
    %dma_start3A_16 = tpu.memref_squeeze %dma_start3A_15 : memref<1x32x1024xf32, #tpu.memory_space<vmem>> -> memref<32x1024xf32, #tpu.memory_space<vmem>>
    %dma_start3A_17 = arith.constant 32 : i32
    %dma_start3A_18 = tpu.memref_slice %arg5[%dma_start3A_17] : memref<128xi32, #tpu.memory_space<vmem>> -> memref<32xi32, #tpu.memory_space<vmem>>
    %dma_start3A_19 = arith.constant 0 : i32
    %dma_start3A_20 = arith.constant 0 : i32
    %dma_start3A_21 = tpu.memref_slice %arg3[%dma_start3A_19, %dma_start3A_20] : memref<100000x1024xf32, #tpu.memory_space<hbm>> -> memref<100000x1024xf32, #tpu.memory_space<hbm>>
    tpu.enqueue_indirect_dma source(%dma_start3A_21 : memref<100000x1024xf32, #tpu.memory_space<hbm>>) target(%dma_start3A_16 : memref<32x1024xf32, #tpu.memory_space<vmem>>) offsets(%dma_start3A_18 : memref<32xi32, #tpu.memory_space<vmem>>) semaphore(%arg8 : memref<!tpu.dma_semaphore, #tpu.memory_space<semaphore_mem>>)
    %dma_start3A_22 = arith.constant 2 : i32
    %dma_start3A_23 = arith.constant 0 : i32
    %dma_start3A_24 = arith.constant 0 : i32
    %dma_start3A_25 = tpu.memref_slice %arg6[%dma_start3A_22, %dma_start3A_23, %dma_start3A_24] : memref<3x32x1024xf32, #tpu.memory_space<vmem>> -> memref<1x32x1024xf32, #tpu.memory_space<vmem>>
    %dma_start3A_26 = tpu.memref_squeeze %dma_start3A_25 : memref<1x32x1024xf32, #tpu.memory_space<vmem>> -> memref<32x1024xf32, #tpu.memory_space<vmem>>
    %dma_start3A_27 = arith.constant 64 : i32
    %dma_start3A_28 = tpu.memref_slice %arg5[%dma_start3A_27] : memref<128xi32, #tpu.memory_space<vmem>> -> memref<32xi32, #tpu.memory_space<vmem>>
    %dma_start3A_29 = arith.constant 0 : i32
    %dma_start3A_30 = arith.constant 0 : i32
    %dma_start3A_31 = tpu.memref_slice %arg3[%dma_start3A_29, %dma_start3A_30] : memref<100000x1024xf32, #tpu.memory_space<hbm>> -> memref<100000x1024xf32, #tpu.memory_space<hbm>>
    tpu.enqueue_indirect_dma source(%dma_start3A_31 : memref<100000x1024xf32, #tpu.memory_space<hbm>>) target(%dma_start3A_26 : memref<32x1024xf32, #tpu.memory_space<vmem>>) offsets(%dma_start3A_28 : memref<32xi32, #tpu.memory_space<vmem>>) semaphore(%arg9 : memref<!tpu.dma_semaphore, #tpu.memory_space<semaphore_mem>>)
    %dma_wait3A = arith.constant 0 : i32
    %dma_wait3A_32 = arith.constant 0 : i32
    %dma_wait3A_33 = arith.constant 0 : i32
    %dma_wait3A_34 = tpu.memref_slice %arg6[%dma_wait3A, %dma_wait3A_32, %dma_wait3A_33] : memref<3x32x1024xf32, #tpu.memory_space<vmem>> -> memref<1x32x1024xf32, #tpu.memory_space<vmem>>
    %dma_wait3A_35 = tpu.memref_squeeze %dma_wait3A_34 : memref<1x32x1024xf32, #tpu.memory_space<vmem>> -> memref<32x1024xf32, #tpu.memory_space<vmem>>
    %dma_wait3A_36 = arith.constant 0 : i32
    %dma_wait3A_37 = tpu.memref_slice %arg5[%dma_wait3A_36] : memref<128xi32, #tpu.memory_space<vmem>> -> memref<32xi32, #tpu.memory_space<vmem>>
    %dma_wait3A_38 = arith.constant 0 : i32
    %dma_wait3A_39 = arith.constant 0 : i32
    %dma_wait3A_40 = tpu.memref_slice %arg3[%dma_wait3A_38, %dma_wait3A_39] : memref<100000x1024xf32, #tpu.memory_space<hbm>> -> memref<100000x1024xf32, #tpu.memory_space<hbm>>
    tpu.wait_indirect_dma semaphore(%arg7 : memref<!tpu.dma_semaphore, #tpu.memory_space<semaphore_mem>>) src(%dma_wait3A_40 : memref<100000x1024xf32, #tpu.memory_space<hbm>>) dst(%dma_wait3A_35 : memref<32x1024xf32, #tpu.memory_space<vmem>>)
    %add3A_41 = arith.constant 0 : i32
    %add3A_42 = arith.addi %mul3A_2, %add3A_41 : i32
    %dma_start3A_43 = arith.constant 0 : i32
    %dma_start3A_44 = arith.constant 0 : i32
    %dma_start3A_45 = arith.constant 0 : i32
    %dma_start3A_46 = tpu.memref_slice %arg6[%dma_start3A_43, %dma_start3A_44, %dma_start3A_45] : memref<3x32x1024xf32, #tpu.memory_space<vmem>> -> memref<1x32x1024xf32, #tpu.memory_space<vmem>>
    %dma_start3A_47 = tpu.memref_squeeze %dma_start3A_46 : memref<1x32x1024xf32, #tpu.memory_space<vmem>> -> memref<32x1024xf32, #tpu.memory_space<vmem>>
    %dma_start3A_48 = arith.constant 0 : i32
    %dma_start3A_49 = tpu.memref_slice %arg4[%add3A_42, %dma_start3A_48] : memref<4096x1024xf32, #tpu.memory_space<hbm>> -> memref<32x1024xf32, #tpu.memory_space<hbm>>
    %dma_start3A_50 = arith.constant 0 : i32
    %dma_start3A_51 = tpu.memref_slice %arg4[%add3A_42, %dma_start3A_50] : memref<4096x1024xf32, #tpu.memory_space<hbm>> -> memref<32x1024xf32, #tpu.memory_space<hbm>>
    %dma_start3A_52 = arith.constant 0 : i32
    %dma_start3A_53 = arith.constant 0 : i32
    %dma_start3A_54 = tpu.memref_slice %arg6[%dma_start3A_43, %dma_start3A_52, %dma_start3A_53] : memref<3x32x1024xf32, #tpu.memory_space<vmem>> -> memref<1x32x1024xf32, #tpu.memory_space<vmem>>
    %dma_start3A_55 = tpu.memref_squeeze %dma_start3A_54 : memref<1x32x1024xf32, #tpu.memory_space<vmem>> -> memref<32x1024xf32, #tpu.memory_space<vmem>>
    tpu.enqueue_dma source(%dma_start3A_55 : memref<32x1024xf32, #tpu.memory_space<vmem>>) target(%dma_start3A_51 : memref<32x1024xf32, #tpu.memory_space<hbm>>) target_semaphore(%arg10 : memref<!tpu.dma_semaphore, #tpu.memory_space<semaphore_mem>>)
    %add3A_56 = arith.constant 0 : i32
    %add3A_57 = arith.addi %mul3A_2, %add3A_56 : i32
    %dma_wait3A_58 = arith.constant 0 : i32
    %dma_wait3A_59 = arith.constant 0 : i32
    %dma_wait3A_60 = arith.constant 0 : i32
    %dma_wait3A_61 = tpu.memref_slice %arg6[%dma_wait3A_58, %dma_wait3A_59, %dma_wait3A_60] : memref<3x32x1024xf32, #tpu.memory_space<vmem>> -> memref<1x32x1024xf32, #tpu.memory_space<vmem>>
    %dma_wait3A_62 = tpu.memref_squeeze %dma_wait3A_61 : memref<1x32x1024xf32, #tpu.memory_space<vmem>> -> memref<32x1024xf32, #tpu.memory_space<vmem>>
    %dma_wait3A_63 = arith.constant 0 : i32
    %dma_wait3A_64 = tpu.memref_slice %arg4[%add3A_57, %dma_wait3A_63] : memref<4096x1024xf32, #tpu.memory_space<hbm>> -> memref<32x1024xf32, #tpu.memory_space<hbm>>
    %dma_wait3A_65 = arith.constant 0 : i32
    %dma_wait3A_66 = tpu.memref_slice %arg4[%add3A_57, %dma_wait3A_65] : memref<4096x1024xf32, #tpu.memory_space<hbm>> -> memref<32x1024xf32, #tpu.memory_space<hbm>>
    %dma_wait3A_67 = arith.constant 0 : i32
    %dma_wait3A_68 = arith.constant 0 : i32
    %dma_wait3A_69 = tpu.memref_slice %arg6[%dma_wait3A_58, %dma_wait3A_67, %dma_wait3A_68] : memref<3x32x1024xf32, #tpu.memory_space<vmem>> -> memref<1x32x1024xf32, #tpu.memory_space<vmem>>
    %dma_wait3A_70 = tpu.memref_squeeze %dma_wait3A_69 : memref<1x32x1024xf32, #tpu.memory_space<vmem>> -> memref<32x1024xf32, #tpu.memory_space<vmem>>
    tpu.wait_dma2 semaphore(%arg10 : memref<!tpu.dma_semaphore, #tpu.memory_space<semaphore_mem>>) src(%dma_wait3A_70 : memref<32x1024xf32, #tpu.memory_space<vmem>>) dst(%dma_wait3A_66 : memref<32x1024xf32, #tpu.memory_space<hbm>>)
    %dma_start3A_71 = arith.constant 0 : i32
    %dma_start3A_72 = arith.constant 0 : i32
    %dma_start3A_73 = arith.constant 0 : i32
    %dma_start3A_74 = tpu.memref_slice %arg6[%dma_start3A_71, %dma_start3A_72, %dma_start3A_73] : memref<3x32x1024xf32, #tpu.memory_space<vmem>> -> memref<1x32x1024xf32, #tpu.memory_space<vmem>>
    %dma_start3A_75 = tpu.memref_squeeze %dma_start3A_74 : memref<1x32x1024xf32, #tpu.memory_space<vmem>> -> memref<32x1024xf32, #tpu.memory_space<vmem>>
    %dma_start3A_76 = arith.constant 96 : i32
    %dma_start3A_77 = tpu.memref_slice %arg5[%dma_start3A_76] : memref<128xi32, #tpu.memory_space<vmem>> -> memref<32xi32, #tpu.memory_space<vmem>>
    %dma_start3A_78 = arith.constant 0 : i32
    %dma_start3A_79 = arith.constant 0 : i32
    %dma_start3A_80 = tpu.memref_slice %arg3[%dma_start3A_78, %dma_start3A_79] : memref<100000x1024xf32, #tpu.memory_space<hbm>> -> memref<100000x1024xf32, #tpu.memory_space<hbm>>
    tpu.enqueue_indirect_dma source(%dma_start3A_80 : memref<100000x1024xf32, #tpu.memory_space<hbm>>) target(%dma_start3A_75 : memref<32x1024xf32, #tpu.memory_space<vmem>>) offsets(%dma_start3A_77 : memref<32xi32, #tpu.memory_space<vmem>>) semaphore(%arg7 : memref<!tpu.dma_semaphore, #tpu.memory_space<semaphore_mem>>)
    %dma_wait3A_81 = arith.constant 1 : i32
    %dma_wait3A_82 = arith.constant 0 : i32
    %dma_wait3A_83 = arith.constant 0 : i32
    %dma_wait3A_84 = tpu.memref_slice %arg6[%dma_wait3A_81, %dma_wait3A_82, %dma_wait3A_83] : memref<3x32x1024xf32, #tpu.memory_space<vmem>> -> memref<1x32x1024xf32, #tpu.memory_space<vmem>>
    %dma_wait3A_85 = tpu.memref_squeeze %dma_wait3A_84 : memref<1x32x1024xf32, #tpu.memory_space<vmem>> -> memref<32x1024xf32, #tpu.memory_space<vmem>>
    %dma_wait3A_86 = arith.constant 32 : i32
    %dma_wait3A_87 = tpu.memref_slice %arg5[%dma_wait3A_86] : memref<128xi32, #tpu.memory_space<vmem>> -> memref<32xi32, #tpu.memory_space<vmem>>
    %dma_wait3A_88 = arith.constant 0 : i32
    %dma_wait3A_89 = arith.constant 0 : i32
    %dma_wait3A_90 = tpu.memref_slice %arg3[%dma_wait3A_88, %dma_wait3A_89] : memref<100000x1024xf32, #tpu.memory_space<hbm>> -> memref<100000x1024xf32, #tpu.memory_space<hbm>>
    tpu.wait_indirect_dma semaphore(%arg8 : memref<!tpu.dma_semaphore, #tpu.memory_space<semaphore_mem>>) src(%dma_wait3A_90 : memref<100000x1024xf32, #tpu.memory_space<hbm>>) dst(%dma_wait3A_85 : memref<32x1024xf32, #tpu.memory_space<vmem>>)
    %add3A_91 = arith.constant 32 : i32
    %add3A_92 = arith.addi %mul3A_2, %add3A_91 : i32
    %dma_start3A_93 = arith.constant 1 : i32
    %dma_start3A_94 = arith.constant 0 : i32
    %dma_start3A_95 = arith.constant 0 : i32
    %dma_start3A_96 = tpu.memref_slice %arg6[%dma_start3A_93, %dma_start3A_94, %dma_start3A_95] : memref<3x32x1024xf32, #tpu.memory_space<vmem>> -> memref<1x32x1024xf32, #tpu.memory_space<vmem>>
    %dma_start3A_97 = tpu.memref_squeeze %dma_start3A_96 : memref<1x32x1024xf32, #tpu.memory_space<vmem>> -> memref<32x1024xf32, #tpu.memory_space<vmem>>
    %dma_start3A_98 = arith.constant 0 : i32
    %dma_start3A_99 = tpu.memref_slice %arg4[%add3A_92, %dma_start3A_98] : memref<4096x1024xf32, #tpu.memory_space<hbm>> -> memref<32x1024xf32, #tpu.memory_space<hbm>>
    %dma_start3A_100 = arith.constant 0 : i32
    %dma_start3A_101 = tpu.memref_slice %arg4[%add3A_92, %dma_start3A_100] : memref<4096x1024xf32, #tpu.memory_space<hbm>> -> memref<32x1024xf32, #tpu.memory_space<hbm>>
    %dma_start3A_102 = arith.constant 0 : i32
    %dma_start3A_103 = arith.constant 0 : i32
    %dma_start3A_104 = tpu.memref_slice %arg6[%dma_start3A_93, %dma_start3A_102, %dma_start3A_103] : memref<3x32x1024xf32, #tpu.memory_space<vmem>> -> memref<1x32x1024xf32, #tpu.memory_space<vmem>>
    %dma_start3A_105 = tpu.memref_squeeze %dma_start3A_104 : memref<1x32x1024xf32, #tpu.memory_space<vmem>> -> memref<32x1024xf32, #tpu.memory_space<vmem>>
    tpu.enqueue_dma source(%dma_start3A_105 : memref<32x1024xf32, #tpu.memory_space<vmem>>) target(%dma_start3A_101 : memref<32x1024xf32, #tpu.memory_space<hbm>>) target_semaphore(%arg11 : memref<!tpu.dma_semaphore, #tpu.memory_space<semaphore_mem>>)
    %dma_wait3A_106 = arith.constant 2 : i32
    %dma_wait3A_107 = arith.constant 0 : i32
    %dma_wait3A_108 = arith.constant 0 : i32
    %dma_wait3A_109 = tpu.memref_slice %arg6[%dma_wait3A_106, %dma_wait3A_107, %dma_wait3A_108] : memref<3x32x1024xf32, #tpu.memory_space<vmem>> -> memref<1x32x1024xf32, #tpu.memory_space<vmem>>
    %dma_wait3A_110 = tpu.memref_squeeze %dma_wait3A_109 : memref<1x32x1024xf32, #tpu.memory_space<vmem>> -> memref<32x1024xf32, #tpu.memory_space<vmem>>
    %dma_wait3A_111 = arith.constant 64 : i32
    %dma_wait3A_112 = tpu.memref_slice %arg5[%dma_wait3A_111] : memref<128xi32, #tpu.memory_space<vmem>> -> memref<32xi32, #tpu.memory_space<vmem>>
    %dma_wait3A_113 = arith.constant 0 : i32
    %dma_wait3A_114 = arith.constant 0 : i32
    %dma_wait3A_115 = tpu.memref_slice %arg3[%dma_wait3A_113, %dma_wait3A_114] : memref<100000x1024xf32, #tpu.memory_space<hbm>> -> memref<100000x1024xf32, #tpu.memory_space<hbm>>
    tpu.wait_indirect_dma semaphore(%arg9 : memref<!tpu.dma_semaphore, #tpu.memory_space<semaphore_mem>>) src(%dma_wait3A_115 : memref<100000x1024xf32, #tpu.memory_space<hbm>>) dst(%dma_wait3A_110 : memref<32x1024xf32, #tpu.memory_space<vmem>>)
    %add3A_116 = arith.constant 64 : i32
    %add3A_117 = arith.addi %mul3A_2, %add3A_116 : i32
    %dma_start3A_118 = arith.constant 2 : i32
    %dma_start3A_119 = arith.constant 0 : i32
    %dma_start3A_120 = arith.constant 0 : i32
    %dma_start3A_121 = tpu.memref_slice %arg6[%dma_start3A_118, %dma_start3A_119, %dma_start3A_120] : memref<3x32x1024xf32, #tpu.memory_space<vmem>> -> memref<1x32x1024xf32, #tpu.memory_space<vmem>>
    %dma_start3A_122 = tpu.memref_squeeze %dma_start3A_121 : memref<1x32x1024xf32, #tpu.memory_space<vmem>> -> memref<32x1024xf32, #tpu.memory_space<vmem>>
    %dma_start3A_123 = arith.constant 0 : i32
    %dma_start3A_124 = tpu.memref_slice %arg4[%add3A_117, %dma_start3A_123] : memref<4096x1024xf32, #tpu.memory_space<hbm>> -> memref<32x1024xf32, #tpu.memory_space<hbm>>
    %dma_start3A_125 = arith.constant 0 : i32
    %dma_start3A_126 = tpu.memref_slice %arg4[%add3A_117, %dma_start3A_125] : memref<4096x1024xf32, #tpu.memory_space<hbm>> -> memref<32x1024xf32, #tpu.memory_space<hbm>>
    %dma_start3A_127 = arith.constant 0 : i32
    %dma_start3A_128 = arith.constant 0 : i32
    %dma_start3A_129 = tpu.memref_slice %arg6[%dma_start3A_118, %dma_start3A_127, %dma_start3A_128] : memref<3x32x1024xf32, #tpu.memory_space<vmem>> -> memref<1x32x1024xf32, #tpu.memory_space<vmem>>
    %dma_start3A_130 = tpu.memref_squeeze %dma_start3A_129 : memref<1x32x1024xf32, #tpu.memory_space<vmem>> -> memref<32x1024xf32, #tpu.memory_space<vmem>>
    tpu.enqueue_dma source(%dma_start3A_130 : memref<32x1024xf32, #tpu.memory_space<vmem>>) target(%dma_start3A_126 : memref<32x1024xf32, #tpu.memory_space<hbm>>) target_semaphore(%arg12 : memref<!tpu.dma_semaphore, #tpu.memory_space<semaphore_mem>>)
    %dma_wait3A_131 = arith.constant 0 : i32
    %dma_wait3A_132 = arith.constant 0 : i32
    %dma_wait3A_133 = arith.constant 0 : i32
    %dma_wait3A_134 = tpu.memref_slice %arg6[%dma_wait3A_131, %dma_wait3A_132, %dma_wait3A_133] : memref<3x32x1024xf32, #tpu.memory_space<vmem>> -> memref<1x32x1024xf32, #tpu.memory_space<vmem>>
    %dma_wait3A_135 = tpu.memref_squeeze %dma_wait3A_134 : memref<1x32x1024xf32, #tpu.memory_space<vmem>> -> memref<32x1024xf32, #tpu.memory_space<vmem>>
    %dma_wait3A_136 = arith.constant 96 : i32
    %dma_wait3A_137 = tpu.memref_slice %arg5[%dma_wait3A_136] : memref<128xi32, #tpu.memory_space<vmem>> -> memref<32xi32, #tpu.memory_space<vmem>>
    %dma_wait3A_138 = arith.constant 0 : i32
    %dma_wait3A_139 = arith.constant 0 : i32
    %dma_wait3A_140 = tpu.memref_slice %arg3[%dma_wait3A_138, %dma_wait3A_139] : memref<100000x1024xf32, #tpu.memory_space<hbm>> -> memref<100000x1024xf32, #tpu.memory_space<hbm>>
    tpu.wait_indirect_dma semaphore(%arg7 : memref<!tpu.dma_semaphore, #tpu.memory_space<semaphore_mem>>) src(%dma_wait3A_140 : memref<100000x1024xf32, #tpu.memory_space<hbm>>) dst(%dma_wait3A_135 : memref<32x1024xf32, #tpu.memory_space<vmem>>)
    %add3A_141 = arith.constant 96 : i32
    %add3A_142 = arith.addi %mul3A_2, %add3A_141 : i32
    %dma_start3A_143 = arith.constant 0 : i32
    %dma_start3A_144 = arith.constant 0 : i32
    %dma_start3A_145 = arith.constant 0 : i32
    %dma_start3A_146 = tpu.memref_slice %arg6[%dma_start3A_143, %dma_start3A_144, %dma_start3A_145] : memref<3x32x1024xf32, #tpu.memory_space<vmem>> -> memref<1x32x1024xf32, #tpu.memory_space<vmem>>
    %dma_start3A_147 = tpu.memref_squeeze %dma_start3A_146 : memref<1x32x1024xf32, #tpu.memory_space<vmem>> -> memref<32x1024xf32, #tpu.memory_space<vmem>>
    %dma_start3A_148 = arith.constant 0 : i32
    %dma_start3A_149 = tpu.memref_slice %arg4[%add3A_142, %dma_start3A_148] : memref<4096x1024xf32, #tpu.memory_space<hbm>> -> memref<32x1024xf32, #tpu.memory_space<hbm>>
    %dma_start3A_150 = arith.constant 0 : i32
    %dma_start3A_151 = tpu.memref_slice %arg4[%add3A_142, %dma_start3A_150] : memref<4096x1024xf32, #tpu.memory_space<hbm>> -> memref<32x1024xf32, #tpu.memory_space<hbm>>
    %dma_start3A_152 = arith.constant 0 : i32
    %dma_start3A_153 = arith.constant 0 : i32
    %dma_start3A_154 = tpu.memref_slice %arg6[%dma_start3A_143, %dma_start3A_152, %dma_start3A_153] : memref<3x32x1024xf32, #tpu.memory_space<vmem>> -> memref<1x32x1024xf32, #tpu.memory_space<vmem>>
    %dma_start3A_155 = tpu.memref_squeeze %dma_start3A_154 : memref<1x32x1024xf32, #tpu.memory_space<vmem>> -> memref<32x1024xf32, #tpu.memory_space<vmem>>
    tpu.enqueue_dma source(%dma_start3A_155 : memref<32x1024xf32, #tpu.memory_space<vmem>>) target(%dma_start3A_151 : memref<32x1024xf32, #tpu.memory_space<hbm>>) target_semaphore(%arg10 : memref<!tpu.dma_semaphore, #tpu.memory_space<semaphore_mem>>)
    %add3A_156 = arith.constant 64 : i32
    %add3A_157 = arith.addi %mul3A_2, %add3A_156 : i32
    %dma_wait3A_158 = arith.constant 2 : i32
    %dma_wait3A_159 = arith.constant 0 : i32
    %dma_wait3A_160 = arith.constant 0 : i32
    %dma_wait3A_161 = tpu.memref_slice %arg6[%dma_wait3A_158, %dma_wait3A_159, %dma_wait3A_160] : memref<3x32x1024xf32, #tpu.memory_space<vmem>> -> memref<1x32x1024xf32, #tpu.memory_space<vmem>>
    %dma_wait3A_162 = tpu.memref_squeeze %dma_wait3A_161 : memref<1x32x1024xf32, #tpu.memory_space<vmem>> -> memref<32x1024xf32, #tpu.memory_space<vmem>>
    %dma_wait3A_163 = arith.constant 0 : i32
    %dma_wait3A_164 = tpu.memref_slice %arg4[%add3A_157, %dma_wait3A_163] : memref<4096x1024xf32, #tpu.memory_space<hbm>> -> memref<32x1024xf32, #tpu.memory_space<hbm>>
    %dma_wait3A_165 = arith.constant 0 : i32
    %dma_wait3A_166 = tpu.memref_slice %arg4[%add3A_157, %dma_wait3A_165] : memref<4096x1024xf32, #tpu.memory_space<hbm>> -> memref<32x1024xf32, #tpu.memory_space<hbm>>
    %dma_wait3A_167 = arith.constant 0 : i32
    %dma_wait3A_168 = arith.constant 0 : i32
    %dma_wait3A_169 = tpu.memref_slice %arg6[%dma_wait3A_158, %dma_wait3A_167, %dma_wait3A_168] : memref<3x32x1024xf32, #tpu.memory_space<vmem>> -> memref<1x32x1024xf32, #tpu.memory_space<vmem>>
    %dma_wait3A_170 = tpu.memref_squeeze %dma_wait3A_169 : memref<1x32x1024xf32, #tpu.memory_space<vmem>> -> memref<32x1024xf32, #tpu.memory_space<vmem>>
    tpu.wait_dma2 semaphore(%arg12 : memref<!tpu.dma_semaphore, #tpu.memory_space<semaphore_mem>>) src(%dma_wait3A_170 : memref<32x1024xf32, #tpu.memory_space<vmem>>) dst(%dma_wait3A_166 : memref<32x1024xf32, #tpu.memory_space<hbm>>)
    %add3A_171 = arith.constant 96 : i32
    %add3A_172 = arith.addi %mul3A_2, %add3A_171 : i32
    %dma_wait3A_173 = arith.constant 0 : i32
    %dma_wait3A_174 = arith.constant 0 : i32
    %dma_wait3A_175 = arith.constant 0 : i32
    %dma_wait3A_176 = tpu.memref_slice %arg6[%dma_wait3A_173, %dma_wait3A_174, %dma_wait3A_175] : memref<3x32x1024xf32, #tpu.memory_space<vmem>> -> memref<1x32x1024xf32, #tpu.memory_space<vmem>>
    %dma_wait3A_177 = tpu.memref_squeeze %dma_wait3A_176 : memref<1x32x1024xf32, #tpu.memory_space<vmem>> -> memref<32x1024xf32, #tpu.memory_space<vmem>>
    %dma_wait3A_178 = arith.constant 0 : i32
    %dma_wait3A_179 = tpu.memref_slice %arg4[%add3A_172, %dma_wait3A_178] : memref<4096x1024xf32, #tpu.memory_space<hbm>> -> memref<32x1024xf32, #tpu.memory_space<hbm>>
    %dma_wait3A_180 = arith.constant 0 : i32
    %dma_wait3A_181 = tpu.memref_slice %arg4[%add3A_172, %dma_wait3A_180] : memref<4096x1024xf32, #tpu.memory_space<hbm>> -> memref<32x1024xf32, #tpu.memory_space<hbm>>
    %dma_wait3A_182 = arith.constant 0 : i32
    %dma_wait3A_183 = arith.constant 0 : i32
    %dma_wait3A_184 = tpu.memref_slice %arg6[%dma_wait3A_173, %dma_wait3A_182, %dma_wait3A_183] : memref<3x32x1024xf32, #tpu.memory_space<vmem>> -> memref<1x32x1024xf32, #tpu.memory_space<vmem>>
    %dma_wait3A_185 = tpu.memref_squeeze %dma_wait3A_184 : memref<1x32x1024xf32, #tpu.memory_space<vmem>> -> memref<32x1024xf32, #tpu.memory_space<vmem>>
    tpu.wait_dma2 semaphore(%arg10 : memref<!tpu.dma_semaphore, #tpu.memory_space<semaphore_mem>>) src(%dma_wait3A_185 : memref<32x1024xf32, #tpu.memory_space<vmem>>) dst(%dma_wait3A_181 : memref<32x1024xf32, #tpu.memory_space<hbm>>)
    return
  }
}

#map = affine_map<(d0, d1) -> (0)>
#map1 = affine_map<(d0, d1) -> (0, 0)>
module attributes {stable_mosaic.version = 14 : i64} {
  func.func @_sc_gather(%arg0: i32, %arg1: i32, %arg2: memref<4096xi32, #tpu.memory_space<hbm>>, %arg3: memref<100000x1024xf32, #tpu.memory_space<hbm>>, %arg4: memref<4096x1024xf32, #tpu.memory_space<hbm>>, %arg5: memref<128xi32, #tpu.memory_space<vmem>>, %arg6: memref<3x32x1024xf32, #tpu.memory_space<vmem>>, %arg7: memref<!tpu.dma_semaphore, #tpu.memory_space<semaphore_mem>>, %arg8: memref<!tpu.dma_semaphore, #tpu.memory_space<semaphore_mem>>, %arg9: memref<!tpu.dma_semaphore, #tpu.memory_space<semaphore_mem>>, %arg10: memref<!tpu.dma_semaphore, #tpu.memory_space<semaphore_mem>>, %arg11: memref<!tpu.dma_semaphore, #tpu.memory_space<semaphore_mem>>, %arg12: memref<!tpu.dma_semaphore, #tpu.memory_space<semaphore_mem>>) attributes {dimension_semantics = [#tpu.dimension_semantics<core_parallel>, #tpu.dimension_semantics<subcore_parallel>], iteration_bounds = array<i64: 2, 16>, scalar_prefetch = 0 : i64, scratch_operands = 8 : i64, tpu.core_type = #tpu.core_type<sc_vector_subcore>, window_params = [{transform_indices = #map}, {transform_indices = #map1}, {transform_indices = #map1}]} {
    %mul3A = arith.constant 2 : i32
    %mul3A_0 = arith.muli %arg1, %mul3A : i32
    %add3A = arith.addi %mul3A_0, %arg0 : i32
    %mul3A_1 = arith.constant 128 : i32
    %mul3A_2 = arith.muli %add3A, %mul3A_1 : i32
    "tpu.region"() ({
      %run_scoped3A = tpu.sem_alloc : memref<!tpu.dma_semaphore, #tpu.memory_space<semaphore_mem>>
      %dma_start3A_186 = tpu.memref_slice %arg2[%mul3A_2] : memref<4096xi32, #tpu.memory_space<hbm>> -> memref<128xi32, #tpu.memory_space<hbm>>
      %dma_start3A_187 = tpu.memref_slice %arg2[%mul3A_2] : memref<4096xi32, #tpu.memory_space<hbm>> -> memref<128xi32, #tpu.memory_space<hbm>>
      tpu.enqueue_dma source(%dma_start3A_187 : memref<128xi32, #tpu.memory_space<hbm>>) target(%arg5 : memref<128xi32, #tpu.memory_space<vmem>>) target_semaphore(%run_scoped3A : memref<!tpu.dma_semaphore, #tpu.memory_space<semaphore_mem>>)
      %dma_wait3A_188 = tpu.memref_slice %arg2[%mul3A_2] : memref<4096xi32, #tpu.memory_space<hbm>> -> memref<128xi32, #tpu.memory_space<hbm>>
      %dma_wait3A_189 = tpu.memref_slice %arg2[%mul3A_2] : memref<4096xi32, #tpu.memory_space<hbm>> -> memref<128xi32, #tpu.memory_space<hbm>>
      tpu.wait_dma2 semaphore(%run_scoped3A : memref<!tpu.dma_semaphore, #tpu.memory_space<semaphore_mem>>) src(%dma_wait3A_189 : memref<128xi32, #tpu.memory_space<hbm>>) dst(%arg5 : memref<128xi32, #tpu.memory_space<vmem>>)
      tpu.yield
    }) : () -> ()
    %dma_start3A = arith.constant 0 : i32
    %dma_start3A_3 = arith.constant 0 : i32
    %dma_start3A_4 = arith.constant 0 : i32
    %dma_start3A_5 = tpu.memref_slice %arg6[%dma_start3A, %dma_start3A_3, %dma_start3A_4] : memref<3x32x1024xf32, #tpu.memory_space<vmem>> -> memref<1x32x1024xf32, #tpu.memory_space<vmem>>
    %dma_start3A_6 = tpu.memref_squeeze %dma_start3A_5 : memref<1x32x1024xf32, #tpu.memory_space<vmem>> -> memref<32x1024xf32, #tpu.memory_space<vmem>>
    %dma_start3A_7 = arith.constant 0 : i32
    %dma_start3A_8 = tpu.memref_slice %arg5[%dma_start3A_7] : memref<128xi32, #tpu.memory_space<vmem>> -> memref<32xi32, #tpu.memory_space<vmem>>
    %dma_start3A_9 = arith.constant 0 : i32
    %dma_start3A_10 = arith.constant 0 : i32
    %dma_start3A_11 = tpu.memref_slice %arg3[%dma_start3A_9, %dma_start3A_10] : memref<100000x1024xf32, #tpu.memory_space<hbm>> -> memref<100000x1024xf32, #tpu.memory_space<hbm>>
    tpu.enqueue_indirect_dma source(%dma_start3A_11 : memref<100000x1024xf32, #tpu.memory_space<hbm>>) target(%dma_start3A_6 : memref<32x1024xf32, #tpu.memory_space<vmem>>) offsets(%dma_start3A_8 : memref<32xi32, #tpu.memory_space<vmem>>) semaphore(%arg7 : memref<!tpu.dma_semaphore, #tpu.memory_space<semaphore_mem>>)
    %dma_start3A_12 = arith.constant 1 : i32
    %dma_start3A_13 = arith.constant 0 : i32
    %dma_start3A_14 = arith.constant 0 : i32
    %dma_start3A_15 = tpu.memref_slice %arg6[%dma_start3A_12, %dma_start3A_13, %dma_start3A_14] : memref<3x32x1024xf32, #tpu.memory_space<vmem>> -> memref<1x32x1024xf32, #tpu.memory_space<vmem>>
    %dma_start3A_16 = tpu.memref_squeeze %dma_start3A_15 : memref<1x32x1024xf32, #tpu.memory_space<vmem>> -> memref<32x1024xf32, #tpu.memory_space<vmem>>
    %dma_start3A_17 = arith.constant 32 : i32
    %dma_start3A_18 = tpu.memref_slice %arg5[%dma_start3A_17] : memref<128xi32, #tpu.memory_space<vmem>> -> memref<32xi32, #tpu.memory_space<vmem>>
    %dma_start3A_19 = arith.constant 0 : i32
    %dma_start3A_20 = arith.constant 0 : i32
    %dma_start3A_21 = tpu.memref_slice %arg3[%dma_start3A_19, %dma_start3A_20] : memref<100000x1024xf32, #tpu.memory_space<hbm>> -> memref<100000x1024xf32, #tpu.memory_space<hbm>>
    tpu.enqueue_indirect_dma source(%dma_start3A_21 : memref<100000x1024xf32, #tpu.memory_space<hbm>>) target(%dma_start3A_16 : memref<32x1024xf32, #tpu.memory_space<vmem>>) offsets(%dma_start3A_18 : memref<32xi32, #tpu.memory_space<vmem>>) semaphore(%arg8 : memref<!tpu.dma_semaphore, #tpu.memory_space<semaphore_mem>>)
    %dma_start3A_22 = arith.constant 2 : i32
    %dma_start3A_23 = arith.constant 0 : i32
    %dma_start3A_24 = arith.constant 0 : i32
    %dma_start3A_25 = tpu.memref_slice %arg6[%dma_start3A_22, %dma_start3A_23, %dma_start3A_24] : memref<3x32x1024xf32, #tpu.memory_space<vmem>> -> memref<1x32x1024xf32, #tpu.memory_space<vmem>>
    %dma_start3A_26 = tpu.memref_squeeze %dma_start3A_25 : memref<1x32x1024xf32, #tpu.memory_space<vmem>> -> memref<32x1024xf32, #tpu.memory_space<vmem>>
    %dma_start3A_27 = arith.constant 64 : i32
    %dma_start3A_28 = tpu.memref_slice %arg5[%dma_start3A_27] : memref<128xi32, #tpu.memory_space<vmem>> -> memref<32xi32, #tpu.memory_space<vmem>>
    %dma_start3A_29 = arith.constant 0 : i32
    %dma_start3A_30 = arith.constant 0 : i32
    %dma_start3A_31 = tpu.memref_slice %arg3[%dma_start3A_29, %dma_start3A_30] : memref<100000x1024xf32, #tpu.memory_space<hbm>> -> memref<100000x1024xf32, #tpu.memory_space<hbm>>
    tpu.enqueue_indirect_dma source(%dma_start3A_31 : memref<100000x1024xf32, #tpu.memory_space<hbm>>) target(%dma_start3A_26 : memref<32x1024xf32, #tpu.memory_space<vmem>>) offsets(%dma_start3A_28 : memref<32xi32, #tpu.memory_space<vmem>>) semaphore(%arg9 : memref<!tpu.dma_semaphore, #tpu.memory_space<semaphore_mem>>)
    %dma_wait3A = arith.constant 0 : i32
    %dma_wait3A_32 = arith.constant 0 : i32
    %dma_wait3A_33 = arith.constant 0 : i32
    %dma_wait3A_34 = tpu.memref_slice %arg6[%dma_wait3A, %dma_wait3A_32, %dma_wait3A_33] : memref<3x32x1024xf32, #tpu.memory_space<vmem>> -> memref<1x32x1024xf32, #tpu.memory_space<vmem>>
    %dma_wait3A_35 = tpu.memref_squeeze %dma_wait3A_34 : memref<1x32x1024xf32, #tpu.memory_space<vmem>> -> memref<32x1024xf32, #tpu.memory_space<vmem>>
    %dma_wait3A_36 = arith.constant 0 : i32
    %dma_wait3A_37 = tpu.memref_slice %arg5[%dma_wait3A_36] : memref<128xi32, #tpu.memory_space<vmem>> -> memref<32xi32, #tpu.memory_space<vmem>>
    %dma_wait3A_38 = arith.constant 0 : i32
    %dma_wait3A_39 = arith.constant 0 : i32
    %dma_wait3A_40 = tpu.memref_slice %arg3[%dma_wait3A_38, %dma_wait3A_39] : memref<100000x1024xf32, #tpu.memory_space<hbm>> -> memref<100000x1024xf32, #tpu.memory_space<hbm>>
    tpu.wait_indirect_dma semaphore(%arg7 : memref<!tpu.dma_semaphore, #tpu.memory_space<semaphore_mem>>) src(%dma_wait3A_40 : memref<100000x1024xf32, #tpu.memory_space<hbm>>) dst(%dma_wait3A_35 : memref<32x1024xf32, #tpu.memory_space<vmem>>)
    %add3A_41 = arith.constant 0 : i32
    %add3A_42 = arith.addi %mul3A_2, %add3A_41 : i32
    %dma_start3A_43 = arith.constant 0 : i32
    %dma_start3A_44 = arith.constant 0 : i32
    %dma_start3A_45 = arith.constant 0 : i32
    %dma_start3A_46 = tpu.memref_slice %arg6[%dma_start3A_43, %dma_start3A_44, %dma_start3A_45] : memref<3x32x1024xf32, #tpu.memory_space<vmem>> -> memref<1x32x1024xf32, #tpu.memory_space<vmem>>
    %dma_start3A_47 = tpu.memref_squeeze %dma_start3A_46 : memref<1x32x1024xf32, #tpu.memory_space<vmem>> -> memref<32x1024xf32, #tpu.memory_space<vmem>>
    %dma_start3A_48 = arith.constant 0 : i32
    %dma_start3A_49 = tpu.memref_slice %arg4[%add3A_42, %dma_start3A_48] : memref<4096x1024xf32, #tpu.memory_space<hbm>> -> memref<32x1024xf32, #tpu.memory_space<hbm>>
    %dma_start3A_50 = arith.constant 0 : i32
    %dma_start3A_51 = tpu.memref_slice %arg4[%add3A_42, %dma_start3A_50] : memref<4096x1024xf32, #tpu.memory_space<hbm>> -> memref<32x1024xf32, #tpu.memory_space<hbm>>
    %dma_start3A_52 = arith.constant 0 : i32
    %dma_start3A_53 = arith.constant 0 : i32
    %dma_start3A_54 = tpu.memref_slice %arg6[%dma_start3A_43, %dma_start3A_52, %dma_start3A_53] : memref<3x32x1024xf32, #tpu.memory_space<vmem>> -> memref<1x32x1024xf32, #tpu.memory_space<vmem>>
    %dma_start3A_55 = tpu.memref_squeeze %dma_start3A_54 : memref<1x32x1024xf32, #tpu.memory_space<vmem>> -> memref<32x1024xf32, #tpu.memory_space<vmem>>
    tpu.enqueue_dma source(%dma_start3A_55 : memref<32x1024xf32, #tpu.memory_space<vmem>>) target(%dma_start3A_51 : memref<32x1024xf32, #tpu.memory_space<hbm>>) target_semaphore(%arg10 : memref<!tpu.dma_semaphore, #tpu.memory_space<semaphore_mem>>)
    %add3A_56 = arith.constant 0 : i32
    %add3A_57 = arith.addi %mul3A_2, %add3A_56 : i32
    %dma_wait3A_58 = arith.constant 0 : i32
    %dma_wait3A_59 = arith.constant 0 : i32
    %dma_wait3A_60 = arith.constant 0 : i32
    %dma_wait3A_61 = tpu.memref_slice %arg6[%dma_wait3A_58, %dma_wait3A_59, %dma_wait3A_60] : memref<3x32x1024xf32, #tpu.memory_space<vmem>> -> memref<1x32x1024xf32, #tpu.memory_space<vmem>>
    %dma_wait3A_62 = tpu.memref_squeeze %dma_wait3A_61 : memref<1x32x1024xf32, #tpu.memory_space<vmem>> -> memref<32x1024xf32, #tpu.memory_space<vmem>>
    %dma_wait3A_63 = arith.constant 0 : i32
    %dma_wait3A_64 = tpu.memref_slice %arg4[%add3A_57, %dma_wait3A_63] : memref<4096x1024xf32, #tpu.memory_space<hbm>> -> memref<32x1024xf32, #tpu.memory_space<hbm>>
    %dma_wait3A_65 = arith.constant 0 : i32
    %dma_wait3A_66 = tpu.memref_slice %arg4[%add3A_57, %dma_wait3A_65] : memref<4096x1024xf32, #tpu.memory_space<hbm>> -> memref<32x1024xf32, #tpu.memory_space<hbm>>
    %dma_wait3A_67 = arith.constant 0 : i32
    %dma_wait3A_68 = arith.constant 0 : i32
    %dma_wait3A_69 = tpu.memref_slice %arg6[%dma_wait3A_58, %dma_wait3A_67, %dma_wait3A_68] : memref<3x32x1024xf32, #tpu.memory_space<vmem>> -> memref<1x32x1024xf32, #tpu.memory_space<vmem>>
    %dma_wait3A_70 = tpu.memref_squeeze %dma_wait3A_69 : memref<1x32x1024xf32, #tpu.memory_space<vmem>> -> memref<32x1024xf32, #tpu.memory_space<vmem>>
    tpu.wait_dma2 semaphore(%arg10 : memref<!tpu.dma_semaphore, #tpu.memory_space<semaphore_mem>>) src(%dma_wait3A_70 : memref<32x1024xf32, #tpu.memory_space<vmem>>) dst(%dma_wait3A_66 : memref<32x1024xf32, #tpu.memory_space<hbm>>)
    %dma_start3A_71 = arith.constant 0 : i32
    %dma_start3A_72 = arith.constant 0 : i32
    %dma_start3A_73 = arith.constant 0 : i32
    %dma_start3A_74 = tpu.memref_slice %arg6[%dma_start3A_71, %dma_start3A_72, %dma_start3A_73] : memref<3x32x1024xf32, #tpu.memory_space<vmem>> -> memref<1x32x1024xf32, #tpu.memory_space<vmem>>
    %dma_start3A_75 = tpu.memref_squeeze %dma_start3A_74 : memref<1x32x1024xf32, #tpu.memory_space<vmem>> -> memref<32x1024xf32, #tpu.memory_space<vmem>>
    %dma_start3A_76 = arith.constant 96 : i32
    %dma_start3A_77 = tpu.memref_slice %arg5[%dma_start3A_76] : memref<128xi32, #tpu.memory_space<vmem>> -> memref<32xi32, #tpu.memory_space<vmem>>
    %dma_start3A_78 = arith.constant 0 : i32
    %dma_start3A_79 = arith.constant 0 : i32
    %dma_start3A_80 = tpu.memref_slice %arg3[%dma_start3A_78, %dma_start3A_79] : memref<100000x1024xf32, #tpu.memory_space<hbm>> -> memref<100000x1024xf32, #tpu.memory_space<hbm>>
    tpu.enqueue_indirect_dma source(%dma_start3A_80 : memref<100000x1024xf32, #tpu.memory_space<hbm>>) target(%dma_start3A_75 : memref<32x1024xf32, #tpu.memory_space<vmem>>) offsets(%dma_start3A_77 : memref<32xi32, #tpu.memory_space<vmem>>) semaphore(%arg7 : memref<!tpu.dma_semaphore, #tpu.memory_space<semaphore_mem>>)
    %dma_wait3A_81 = arith.constant 1 : i32
    %dma_wait3A_82 = arith.constant 0 : i32
    %dma_wait3A_83 = arith.constant 0 : i32
    %dma_wait3A_84 = tpu.memref_slice %arg6[%dma_wait3A_81, %dma_wait3A_82, %dma_wait3A_83] : memref<3x32x1024xf32, #tpu.memory_space<vmem>> -> memref<1x32x1024xf32, #tpu.memory_space<vmem>>
    %dma_wait3A_85 = tpu.memref_squeeze %dma_wait3A_84 : memref<1x32x1024xf32, #tpu.memory_space<vmem>> -> memref<32x1024xf32, #tpu.memory_space<vmem>>
    %dma_wait3A_86 = arith.constant 32 : i32
    %dma_wait3A_87 = tpu.memref_slice %arg5[%dma_wait3A_86] : memref<128xi32, #tpu.memory_space<vmem>> -> memref<32xi32, #tpu.memory_space<vmem>>
    %dma_wait3A_88 = arith.constant 0 : i32
    %dma_wait3A_89 = arith.constant 0 : i32
    %dma_wait3A_90 = tpu.memref_slice %arg3[%dma_wait3A_88, %dma_wait3A_89] : memref<100000x1024xf32, #tpu.memory_space<hbm>> -> memref<100000x1024xf32, #tpu.memory_space<hbm>>
    tpu.wait_indirect_dma semaphore(%arg8 : memref<!tpu.dma_semaphore, #tpu.memory_space<semaphore_mem>>) src(%dma_wait3A_90 : memref<100000x1024xf32, #tpu.memory_space<hbm>>) dst(%dma_wait3A_85 : memref<32x1024xf32, #tpu.memory_space<vmem>>)
    %add3A_91 = arith.constant 32 : i32
    %add3A_92 = arith.addi %mul3A_2, %add3A_91 : i32
    %dma_start3A_93 = arith.constant 1 : i32
    %dma_start3A_94 = arith.constant 0 : i32
    %dma_start3A_95 = arith.constant 0 : i32
    %dma_start3A_96 = tpu.memref_slice %arg6[%dma_start3A_93, %dma_start3A_94, %dma_start3A_95] : memref<3x32x1024xf32, #tpu.memory_space<vmem>> -> memref<1x32x1024xf32, #tpu.memory_space<vmem>>
    %dma_start3A_97 = tpu.memref_squeeze %dma_start3A_96 : memref<1x32x1024xf32, #tpu.memory_space<vmem>> -> memref<32x1024xf32, #tpu.memory_space<vmem>>
    %dma_start3A_98 = arith.constant 0 : i32
    %dma_start3A_99 = tpu.memref_slice %arg4[%add3A_92, %dma_start3A_98] : memref<4096x1024xf32, #tpu.memory_space<hbm>> -> memref<32x1024xf32, #tpu.memory_space<hbm>>
    %dma_start3A_100 = arith.constant 0 : i32
    %dma_start3A_101 = tpu.memref_slice %arg4[%add3A_92, %dma_start3A_100] : memref<4096x1024xf32, #tpu.memory_space<hbm>> -> memref<32x1024xf32, #tpu.memory_space<hbm>>
    %dma_start3A_102 = arith.constant 0 : i32
    %dma_start3A_103 = arith.constant 0 : i32
    %dma_start3A_104 = tpu.memref_slice %arg6[%dma_start3A_93, %dma_start3A_102, %dma_start3A_103] : memref<3x32x1024xf32, #tpu.memory_space<vmem>> -> memref<1x32x1024xf32, #tpu.memory_space<vmem>>
    %dma_start3A_105 = tpu.memref_squeeze %dma_start3A_104 : memref<1x32x1024xf32, #tpu.memory_space<vmem>> -> memref<32x1024xf32, #tpu.memory_space<vmem>>
    tpu.enqueue_dma source(%dma_start3A_105 : memref<32x1024xf32, #tpu.memory_space<vmem>>) target(%dma_start3A_101 : memref<32x1024xf32, #tpu.memory_space<hbm>>) target_semaphore(%arg11 : memref<!tpu.dma_semaphore, #tpu.memory_space<semaphore_mem>>)
    %dma_wait3A_106 = arith.constant 2 : i32
    %dma_wait3A_107 = arith.constant 0 : i32
    %dma_wait3A_108 = arith.constant 0 : i32
    %dma_wait3A_109 = tpu.memref_slice %arg6[%dma_wait3A_106, %dma_wait3A_107, %dma_wait3A_108] : memref<3x32x1024xf32, #tpu.memory_space<vmem>> -> memref<1x32x1024xf32, #tpu.memory_space<vmem>>
    %dma_wait3A_110 = tpu.memref_squeeze %dma_wait3A_109 : memref<1x32x1024xf32, #tpu.memory_space<vmem>> -> memref<32x1024xf32, #tpu.memory_space<vmem>>
    %dma_wait3A_111 = arith.constant 64 : i32
    %dma_wait3A_112 = tpu.memref_slice %arg5[%dma_wait3A_111] : memref<128xi32, #tpu.memory_space<vmem>> -> memref<32xi32, #tpu.memory_space<vmem>>
    %dma_wait3A_113 = arith.constant 0 : i32
    %dma_wait3A_114 = arith.constant 0 : i32
    %dma_wait3A_115 = tpu.memref_slice %arg3[%dma_wait3A_113, %dma_wait3A_114] : memref<100000x1024xf32, #tpu.memory_space<hbm>> -> memref<100000x1024xf32, #tpu.memory_space<hbm>>
    tpu.wait_indirect_dma semaphore(%arg9 : memref<!tpu.dma_semaphore, #tpu.memory_space<semaphore_mem>>) src(%dma_wait3A_115 : memref<100000x1024xf32, #tpu.memory_space<hbm>>) dst(%dma_wait3A_110 : memref<32x1024xf32, #tpu.memory_space<vmem>>)
    %add3A_116 = arith.constant 64 : i32
    %add3A_117 = arith.addi %mul3A_2, %add3A_116 : i32
    %dma_start3A_118 = arith.constant 2 : i32
    %dma_start3A_119 = arith.constant 0 : i32
    %dma_start3A_120 = arith.constant 0 : i32
    %dma_start3A_121 = tpu.memref_slice %arg6[%dma_start3A_118, %dma_start3A_119, %dma_start3A_120] : memref<3x32x1024xf32, #tpu.memory_space<vmem>> -> memref<1x32x1024xf32, #tpu.memory_space<vmem>>
    %dma_start3A_122 = tpu.memref_squeeze %dma_start3A_121 : memref<1x32x1024xf32, #tpu.memory_space<vmem>> -> memref<32x1024xf32, #tpu.memory_space<vmem>>
    %dma_start3A_123 = arith.constant 0 : i32
    %dma_start3A_124 = tpu.memref_slice %arg4[%add3A_117, %dma_start3A_123] : memref<4096x1024xf32, #tpu.memory_space<hbm>> -> memref<32x1024xf32, #tpu.memory_space<hbm>>
    %dma_start3A_125 = arith.constant 0 : i32
    %dma_start3A_126 = tpu.memref_slice %arg4[%add3A_117, %dma_start3A_125] : memref<4096x1024xf32, #tpu.memory_space<hbm>> -> memref<32x1024xf32, #tpu.memory_space<hbm>>
    %dma_start3A_127 = arith.constant 0 : i32
    %dma_start3A_128 = arith.constant 0 : i32
    %dma_start3A_129 = tpu.memref_slice %arg6[%dma_start3A_118, %dma_start3A_127, %dma_start3A_128] : memref<3x32x1024xf32, #tpu.memory_space<vmem>> -> memref<1x32x1024xf32, #tpu.memory_space<vmem>>
    %dma_start3A_130 = tpu.memref_squeeze %dma_start3A_129 : memref<1x32x1024xf32, #tpu.memory_space<vmem>> -> memref<32x1024xf32, #tpu.memory_space<vmem>>
    tpu.enqueue_dma source(%dma_start3A_130 : memref<32x1024xf32, #tpu.memory_space<vmem>>) target(%dma_start3A_126 : memref<32x1024xf32, #tpu.memory_space<hbm>>) target_semaphore(%arg12 : memref<!tpu.dma_semaphore, #tpu.memory_space<semaphore_mem>>)
    %dma_wait3A_131 = arith.constant 0 : i32
    %dma_wait3A_132 = arith.constant 0 : i32
    %dma_wait3A_133 = arith.constant 0 : i32
    %dma_wait3A_134 = tpu.memref_slice %arg6[%dma_wait3A_131, %dma_wait3A_132, %dma_wait3A_133] : memref<3x32x1024xf32, #tpu.memory_space<vmem>> -> memref<1x32x1024xf32, #tpu.memory_space<vmem>>
    %dma_wait3A_135 = tpu.memref_squeeze %dma_wait3A_134 : memref<1x32x1024xf32, #tpu.memory_space<vmem>> -> memref<32x1024xf32, #tpu.memory_space<vmem>>
    %dma_wait3A_136 = arith.constant 96 : i32
    %dma_wait3A_137 = tpu.memref_slice %arg5[%dma_wait3A_136] : memref<128xi32, #tpu.memory_space<vmem>> -> memref<32xi32, #tpu.memory_space<vmem>>
    %dma_wait3A_138 = arith.constant 0 : i32
    %dma_wait3A_139 = arith.constant 0 : i32
    %dma_wait3A_140 = tpu.memref_slice %arg3[%dma_wait3A_138, %dma_wait3A_139] : memref<100000x1024xf32, #tpu.memory_space<hbm>> -> memref<100000x1024xf32, #tpu.memory_space<hbm>>
    tpu.wait_indirect_dma semaphore(%arg7 : memref<!tpu.dma_semaphore, #tpu.memory_space<semaphore_mem>>) src(%dma_wait3A_140 : memref<100000x1024xf32, #tpu.memory_space<hbm>>) dst(%dma_wait3A_135 : memref<32x1024xf32, #tpu.memory_space<vmem>>)
    %add3A_141 = arith.constant 96 : i32
    %add3A_142 = arith.addi %mul3A_2, %add3A_141 : i32
    %dma_start3A_143 = arith.constant 0 : i32
    %dma_start3A_144 = arith.constant 0 : i32
    %dma_start3A_145 = arith.constant 0 : i32
    %dma_start3A_146 = tpu.memref_slice %arg6[%dma_start3A_143, %dma_start3A_144, %dma_start3A_145] : memref<3x32x1024xf32, #tpu.memory_space<vmem>> -> memref<1x32x1024xf32, #tpu.memory_space<vmem>>
    %dma_start3A_147 = tpu.memref_squeeze %dma_start3A_146 : memref<1x32x1024xf32, #tpu.memory_space<vmem>> -> memref<32x1024xf32, #tpu.memory_space<vmem>>
    %dma_start3A_148 = arith.constant 0 : i32
    %dma_start3A_149 = tpu.memref_slice %arg4[%add3A_142, %dma_start3A_148] : memref<4096x1024xf32, #tpu.memory_space<hbm>> -> memref<32x1024xf32, #tpu.memory_space<hbm>>
    %dma_start3A_150 = arith.constant 0 : i32
    %dma_start3A_151 = tpu.memref_slice %arg4[%add3A_142, %dma_start3A_150] : memref<4096x1024xf32, #tpu.memory_space<hbm>> -> memref<32x1024xf32, #tpu.memory_space<hbm>>
    %dma_start3A_152 = arith.constant 0 : i32
    %dma_start3A_153 = arith.constant 0 : i32
    %dma_start3A_154 = tpu.memref_slice %arg6[%dma_start3A_143, %dma_start3A_152, %dma_start3A_153] : memref<3x32x1024xf32, #tpu.memory_space<vmem>> -> memref<1x32x1024xf32, #tpu.memory_space<vmem>>
    %dma_start3A_155 = tpu.memref_squeeze %dma_start3A_154 : memref<1x32x1024xf32, #tpu.memory_space<vmem>> -> memref<32x1024xf32, #tpu.memory_space<vmem>>
    tpu.enqueue_dma source(%dma_start3A_155 : memref<32x1024xf32, #tpu.memory_space<vmem>>) target(%dma_start3A_151 : memref<32x1024xf32, #tpu.memory_space<hbm>>) target_semaphore(%arg10 : memref<!tpu.dma_semaphore, #tpu.memory_space<semaphore_mem>>)
    %add3A_156 = arith.constant 64 : i32
    %add3A_157 = arith.addi %mul3A_2, %add3A_156 : i32
    %dma_wait3A_158 = arith.constant 2 : i32
    %dma_wait3A_159 = arith.constant 0 : i32
    %dma_wait3A_160 = arith.constant 0 : i32
    %dma_wait3A_161 = tpu.memref_slice %arg6[%dma_wait3A_158, %dma_wait3A_159, %dma_wait3A_160] : memref<3x32x1024xf32, #tpu.memory_space<vmem>> -> memref<1x32x1024xf32, #tpu.memory_space<vmem>>
    %dma_wait3A_162 = tpu.memref_squeeze %dma_wait3A_161 : memref<1x32x1024xf32, #tpu.memory_space<vmem>> -> memref<32x1024xf32, #tpu.memory_space<vmem>>
    %dma_wait3A_163 = arith.constant 0 : i32
    %dma_wait3A_164 = tpu.memref_slice %arg4[%add3A_157, %dma_wait3A_163] : memref<4096x1024xf32, #tpu.memory_space<hbm>> -> memref<32x1024xf32, #tpu.memory_space<hbm>>
    %dma_wait3A_165 = arith.constant 0 : i32
    %dma_wait3A_166 = tpu.memref_slice %arg4[%add3A_157, %dma_wait3A_165] : memref<4096x1024xf32, #tpu.memory_space<hbm>> -> memref<32x1024xf32, #tpu.memory_space<hbm>>
    %dma_wait3A_167 = arith.constant 0 : i32
    %dma_wait3A_168 = arith.constant 0 : i32
    %dma_wait3A_169 = tpu.memref_slice %arg6[%dma_wait3A_158, %dma_wait3A_167, %dma_wait3A_168] : memref<3x32x1024xf32, #tpu.memory_space<vmem>> -> memref<1x32x1024xf32, #tpu.memory_space<vmem>>
    %dma_wait3A_170 = tpu.memref_squeeze %dma_wait3A_169 : memref<1x32x1024xf32, #tpu.memory_space<vmem>> -> memref<32x1024xf32, #tpu.memory_space<vmem>>
    tpu.wait_dma2 semaphore(%arg12 : memref<!tpu.dma_semaphore, #tpu.memory_space<semaphore_mem>>) src(%dma_wait3A_170 : memref<32x1024xf32, #tpu.memory_space<vmem>>) dst(%dma_wait3A_166 : memref<32x1024xf32, #tpu.memory_space<hbm>>)
    %add3A_171 = arith.constant 96 : i32
    %add3A_172 = arith.addi %mul3A_2, %add3A_171 : i32
    %dma_wait3A_173 = arith.constant 0 : i32
    %dma_wait3A_174 = arith.constant 0 : i32
    %dma_wait3A_175 = arith.constant 0 : i32
    %dma_wait3A_176 = tpu.memref_slice %arg6[%dma_wait3A_173, %dma_wait3A_174, %dma_wait3A_175] : memref<3x32x1024xf32, #tpu.memory_space<vmem>> -> memref<1x32x1024xf32, #tpu.memory_space<vmem>>
    %dma_wait3A_177 = tpu.memref_squeeze %dma_wait3A_176 : memref<1x32x1024xf32, #tpu.memory_space<vmem>> -> memref<32x1024xf32, #tpu.memory_space<vmem>>
    %dma_wait3A_178 = arith.constant 0 : i32
    %dma_wait3A_179 = tpu.memref_slice %arg4[%add3A_172, %dma_wait3A_178] : memref<4096x1024xf32, #tpu.memory_space<hbm>> -> memref<32x1024xf32, #tpu.memory_space<hbm>>
    %dma_wait3A_180 = arith.constant 0 : i32
    %dma_wait3A_181 = tpu.memref_slice %arg4[%add3A_172, %dma_wait3A_180] : memref<4096x1024xf32, #tpu.memory_space<hbm>> -> memref<32x1024xf32, #tpu.memory_space<hbm>>
    %dma_wait3A_182 = arith.constant 0 : i32
    %dma_wait3A_183 = arith.constant 0 : i32
    %dma_wait3A_184 = tpu.memref_slice %arg6[%dma_wait3A_173, %dma_wait3A_182, %dma_wait3A_183] : memref<3x32x1024xf32, #tpu.memory_space<vmem>> -> memref<1x32x1024xf32, #tpu.memory_space<vmem>>
    %dma_wait3A_185 = tpu.memref_squeeze %dma_wait3A_184 : memref<1x32x1024xf32, #tpu.memory_space<vmem>> -> memref<32x1024xf32, #tpu.memory_space<vmem>>
    tpu.wait_dma2 semaphore(%arg10 : memref<!tpu.dma_semaphore, #tpu.memory_space<semaphore_mem>>) src(%dma_wait3A_185 : memref<32x1024xf32, #tpu.memory_space<vmem>>) dst(%dma_wait3A_181 : memref<32x1024xf32, #tpu.memory_space<hbm>>)
    return
  }
}

module attributes {stable_mosaic.version = 14 : i64} {
  func.func @_tc_ln1(%arg0: i32, %arg1: i32, %arg2: memref<1x1024x1024xf32, #tpu.memory_space<vmem>>, %arg3: memref<1x1024x1024xf32, #tpu.memory_space<vmem>>, %arg4: memref<1x1024xf32, #tpu.memory_space<vmem>>, %arg5: memref<1x1024xf32, #tpu.memory_space<vmem>>, %arg6: memref<1x1024x1024xf32, #tpu.memory_space<vmem>>, %arg7: memref<1x1024x1024xf32, #tpu.memory_space<vmem>>) attributes {dimension_semantics = [#tpu.dimension_semantics<arbitrary>, #tpu.dimension_semantics<arbitrary>], iteration_bounds = array<i64: 1, 4>, scalar_prefetch = 0 : i64, scratch_operands = 0 : i64, tpu.core_type = #tpu.core_type<tc>, window_params = [{transform_indices = @transform_0, window_bounds = array<i64: 1, 1024, 1024>}, {transform_indices = @transform_1, window_bounds = array<i64: 1, 1024, 1024>}, {pipeline_mode = #tpu.pipeline_mode<synchronous>, transform_indices = @transform_2, window_bounds = array<i64: 1, 1024>}, {pipeline_mode = #tpu.pipeline_mode<synchronous>, transform_indices = @transform_3, window_bounds = array<i64: 1, 1024>}, {transform_indices = @transform_4, window_bounds = array<i64: 1, 1024, 1024>}, {transform_indices = @transform_5, window_bounds = array<i64: 1, 1024, 1024>}]} {
    %get3A = arith.constant 0 : index
    %get3A_0 = arith.constant 0 : index
    %get3A_1 = arith.constant 0 : index
    %get3A_2 = vector.load %arg2[%get3A, %get3A_0, %get3A_1] : memref<1x1024x1024xf32, #tpu.memory_space<vmem>>, vector<1x1024x1024xf32>
    %get3A_3 = vector.shape_cast %get3A_2 : vector<1x1024x1024xf32> to vector<1024x1024xf32>
    %get3A_4 = arith.constant 0 : index
    %get3A_5 = arith.constant 0 : index
    %get3A_6 = arith.constant 0 : index
    %get3A_7 = vector.load %arg3[%get3A_4, %get3A_5, %get3A_6] : memref<1x1024x1024xf32, #tpu.memory_space<vmem>>, vector<1x1024x1024xf32>
    %get3A_8 = vector.shape_cast %get3A_7 : vector<1x1024x1024xf32> to vector<1024x1024xf32>
    %add3A = arith.addf %get3A_3, %get3A_8 : vector<1024x1024xf32>
    %get3A_9 = arith.constant 0 : index
    %get3A_10 = arith.constant 0 : index
    %get3A_11 = vector.load %arg4[%get3A_9, %get3A_10] : memref<1x1024xf32, #tpu.memory_space<vmem>>, vector<1x1024xf32>
    %get3A_12 = arith.constant 0 : index
    %get3A_13 = arith.constant 0 : index
    %get3A_14 = vector.load %arg5[%get3A_12, %get3A_13] : memref<1x1024xf32, #tpu.memory_space<vmem>>, vector<1x1024xf32>
    %reduce_sum3A = arith.constant dense<0.000000e+00> : vector<1024xf32>
    %reduce_sum3A_15 = vector.multi_reduction <add>, %add3A, %reduce_sum3A [1] : vector<1024x1024xf32> to vector<1024xf32>
    %broadcast_in_dim3A = vector.shape_cast %reduce_sum3A_15 : vector<1024xf32> to vector<1024x1xf32>
    %div3A = arith.constant 1.024000e+03 : f32
    %div3A_16 = vector.broadcast %div3A : f32 to vector<1024x1xf32>
    %div3A_17 = arith.divf %broadcast_in_dim3A, %div3A_16 : vector<1024x1xf32>
    %sub3A = vector.broadcast %div3A_17 : vector<1024x1xf32> to vector<1024x1024xf32>
    %sub3A_18 = arith.subf %add3A, %sub3A : vector<1024x1024xf32>
    %mul3A = arith.mulf %sub3A_18, %sub3A_18 : vector<1024x1024xf32>
    %reduce_sum3A_19 = arith.constant dense<0.000000e+00> : vector<1024xf32>
    %reduce_sum3A_20 = vector.multi_reduction <add>, %mul3A, %reduce_sum3A_19 [1] : vector<1024x1024xf32> to vector<1024xf32>
    %broadcast_in_dim3A_21 = vector.shape_cast %reduce_sum3A_20 : vector<1024xf32> to vector<1024x1xf32>
    %div3A_22 = arith.constant 1.024000e+03 : f32
    %div3A_23 = vector.broadcast %div3A_22 : f32 to vector<1024x1xf32>
    %div3A_24 = arith.divf %broadcast_in_dim3A_21, %div3A_23 : vector<1024x1xf32>
    %add3A_25 = arith.constant 9.99999996E-13 : f32
    %add3A_26 = vector.broadcast %add3A_25 : f32 to vector<1024x1xf32>
    %add3A_27 = arith.addf %div3A_24, %add3A_26 : vector<1024x1xf32>
    %rsqrt3A = math.rsqrt %add3A_27 : vector<1024x1xf32>
    %mul3A_28 = vector.broadcast %rsqrt3A : vector<1024x1xf32> to vector<1024x1024xf32>
    %mul3A_29 = arith.mulf %sub3A_18, %mul3A_28 : vector<1024x1024xf32>
    %mul3A_30 = vector.broadcast %get3A_11 : vector<1x1024xf32> to vector<1024x1024xf32>
    %mul3A_31 = arith.mulf %mul3A_29, %mul3A_30 : vector<1024x1024xf32>
    %add3A_32 = vector.broadcast %get3A_14 : vector<1x1024xf32> to vector<1024x1024xf32>
    %add3A_33 = arith.addf %mul3A_31, %add3A_32 : vector<1024x1024xf32>
    %swap3A = arith.constant 0 : index
    %swap3A_34 = arith.constant 0 : index
    %swap3A_35 = arith.constant 0 : index
    %swap3A_36 = vector.load %arg7[%swap3A, %swap3A_34, %swap3A_35] : memref<1x1024x1024xf32, #tpu.memory_space<vmem>>, vector<1x1024x1024xf32>
    %swap3A_37 = vector.shape_cast %swap3A_36 : vector<1x1024x1024xf32> to vector<1024x1024xf32>
    %swap3A_38 = vector.shape_cast %add3A_33 : vector<1024x1024xf32> to vector<1x1024x1024xf32>
    tpu.vector_store %arg7[%swap3A, %swap3A_34, %swap3A_35], %swap3A_38 {strides = array<i32>} : memref<1x1024x1024xf32, #tpu.memory_space<vmem>>, vector<1x1024x1024xf32>,
    return
  }
  func.func @transform_0(%arg0: i32, %arg1: i32) -> (i32, i32, i32) {
    %c0_i32 = arith.constant 0 : i32
    %c0_i32_0 = arith.constant 0 : i32
    return %arg1, %arg0, %c0_i32 : i32, i32, i32
  }
  func.func @transform_1(%arg0: i32, %arg1: i32) -> (i32, i32, i32) {
    %c1_i32 = arith.constant 1 : i32
    %c0_i32 = arith.constant 0 : i32
    %c0_i32_0 = arith.constant 0 : i32
    return %c1_i32, %arg0, %c0_i32 : i32, i32, i32
  }
  func.func @transform_2(%arg0: i32, %arg1: i32) -> (i32, i32) {
    %c0_i32 = arith.constant 0 : i32
    %c0_i32_0 = arith.constant 0 : i32
    %c0_i32_1 = arith.constant 0 : i32
    return %c0_i32, %c0_i32_0 : i32, i32
  }
  func.func @transform_3(%arg0: i32, %arg1: i32) -> (i32, i32) {
    %c0_i32 = arith.constant 0 : i32
    %c0_i32_0 = arith.constant 0 : i32
    %c0_i32_1 = arith.constant 0 : i32
    return %c0_i32, %c0_i32_0 : i32, i32
  }
  func.func @transform_4(%arg0: i32, %arg1: i32) -> (i32, i32, i32) {
    %c0_i32 = arith.constant 0 : i32
    %c0_i32_0 = arith.constant 0 : i32
    %c0_i32_1 = arith.constant 0 : i32
    %c0_i32_2 = arith.constant 0 : i32
    return %c0_i32, %c0_i32_0, %c0_i32_1 : i32, i32, i32
  }
  func.func @transform_5(%arg0: i32, %arg1: i32) -> (i32, i32, i32) {
    %add3A = arith.constant 1 : i32
    %add3A_0 = arith.addi %add3A, %arg0 : i32
    %c0_i32 = arith.constant 0 : i32
    %c0_i32_1 = arith.constant 0 : i32
    return %arg1, %add3A_0, %c0_i32 : i32, i32, i32
  }
}

module attributes {stable_mosaic.version = 14 : i64} {
  func.func @_tc_ln0(%arg0: i32, %arg1: i32, %arg2: memref<1x1024x1024xf32, #tpu.memory_space<vmem>>, %arg3: memref<1x1024x1024xf32, #tpu.memory_space<vmem>>, %arg4: memref<1x1024xf32, #tpu.memory_space<vmem>>, %arg5: memref<1x1024xf32, #tpu.memory_space<vmem>>, %arg6: memref<1x1024x1024xf32, #tpu.memory_space<vmem>>) attributes {dimension_semantics = [#tpu.dimension_semantics<arbitrary>, #tpu.dimension_semantics<arbitrary>], iteration_bounds = array<i64: 1, 4>, scalar_prefetch = 0 : i64, scratch_operands = 0 : i64, tpu.core_type = #tpu.core_type<tc>, window_params = [{transform_indices = @transform_0, window_bounds = array<i64: 1, 1024, 1024>}, {transform_indices = @transform_1, window_bounds = array<i64: 1, 1024, 1024>}, {pipeline_mode = #tpu.pipeline_mode<synchronous>, transform_indices = @transform_2, window_bounds = array<i64: 1, 1024>}, {pipeline_mode = #tpu.pipeline_mode<synchronous>, transform_indices = @transform_3, window_bounds = array<i64: 1, 1024>}, {transform_indices = @transform_4, window_bounds = array<i64: 1, 1024, 1024>}]} {
    %get3A = arith.constant 0 : index
    %get3A_0 = arith.constant 0 : index
    %get3A_1 = arith.constant 0 : index
    %get3A_2 = vector.load %arg2[%get3A, %get3A_0, %get3A_1] : memref<1x1024x1024xf32, #tpu.memory_space<vmem>>, vector<1x1024x1024xf32>
    %get3A_3 = vector.shape_cast %get3A_2 : vector<1x1024x1024xf32> to vector<1024x1024xf32>
    %get3A_4 = arith.constant 0 : index
    %get3A_5 = arith.constant 0 : index
    %get3A_6 = arith.constant 0 : index
    %get3A_7 = vector.load %arg3[%get3A_4, %get3A_5, %get3A_6] : memref<1x1024x1024xf32, #tpu.memory_space<vmem>>, vector<1x1024x1024xf32>
    %get3A_8 = vector.shape_cast %get3A_7 : vector<1x1024x1024xf32> to vector<1024x1024xf32>
    %add3A = arith.addf %get3A_3, %get3A_8 : vector<1024x1024xf32>
    %get3A_9 = arith.constant 0 : index
    %get3A_10 = arith.constant 0 : index
    %get3A_11 = vector.load %arg4[%get3A_9, %get3A_10] : memref<1x1024xf32, #tpu.memory_space<vmem>>, vector<1x1024xf32>
    %get3A_12 = arith.constant 0 : index
    %get3A_13 = arith.constant 0 : index
    %get3A_14 = vector.load %arg5[%get3A_12, %get3A_13] : memref<1x1024xf32, #tpu.memory_space<vmem>>, vector<1x1024xf32>
    %reduce_sum3A = arith.constant dense<0.000000e+00> : vector<1024xf32>
    %reduce_sum3A_15 = vector.multi_reduction <add>, %add3A, %reduce_sum3A [1] : vector<1024x1024xf32> to vector<1024xf32>
    %broadcast_in_dim3A = vector.shape_cast %reduce_sum3A_15 : vector<1024xf32> to vector<1024x1xf32>
    %div3A = arith.constant 1.024000e+03 : f32
    %div3A_16 = vector.broadcast %div3A : f32 to vector<1024x1xf32>
    %div3A_17 = arith.divf %broadcast_in_dim3A, %div3A_16 : vector<1024x1xf32>
    %sub3A = vector.broadcast %div3A_17 : vector<1024x1xf32> to vector<1024x1024xf32>
    %sub3A_18 = arith.subf %add3A, %sub3A : vector<1024x1024xf32>
    %mul3A = arith.mulf %sub3A_18, %sub3A_18 : vector<1024x1024xf32>
    %reduce_sum3A_19 = arith.constant dense<0.000000e+00> : vector<1024xf32>
    %reduce_sum3A_20 = vector.multi_reduction <add>, %mul3A, %reduce_sum3A_19 [1] : vector<1024x1024xf32> to vector<1024xf32>
    %broadcast_in_dim3A_21 = vector.shape_cast %reduce_sum3A_20 : vector<1024xf32> to vector<1024x1xf32>
    %div3A_22 = arith.constant 1.024000e+03 : f32
    %div3A_23 = vector.broadcast %div3A_22 : f32 to vector<1024x1xf32>
    %div3A_24 = arith.divf %broadcast_in_dim3A_21, %div3A_23 : vector<1024x1xf32>
    %add3A_25 = arith.constant 9.99999996E-13 : f32
    %add3A_26 = vector.broadcast %add3A_25 : f32 to vector<1024x1xf32>
    %add3A_27 = arith.addf %div3A_24, %add3A_26 : vector<1024x1xf32>
    %rsqrt3A = math.rsqrt %add3A_27 : vector<1024x1xf32>
    %mul3A_28 = vector.broadcast %rsqrt3A : vector<1024x1xf32> to vector<1024x1024xf32>
    %mul3A_29 = arith.mulf %sub3A_18, %mul3A_28 : vector<1024x1024xf32>
    %mul3A_30 = vector.broadcast %get3A_11 : vector<1x1024xf32> to vector<1024x1024xf32>
    %mul3A_31 = arith.mulf %mul3A_29, %mul3A_30 : vector<1024x1024xf32>
    %add3A_32 = vector.broadcast %get3A_14 : vector<1x1024xf32> to vector<1024x1024xf32>
    %add3A_33 = arith.addf %mul3A_31, %add3A_32 : vector<1024x1024xf32>
    %swap3A = arith.constant 0 : index
    %swap3A_34 = arith.constant 0 : index
    %swap3A_35 = arith.constant 0 : index
    %swap3A_36 = vector.load %arg6[%swap3A, %swap3A_34, %swap3A_35] : memref<1x1024x1024xf32, #tpu.memory_space<vmem>>, vector<1x1024x1024xf32>
    %swap3A_37 = vector.shape_cast %swap3A_36 : vector<1x1024x1024xf32> to vector<1024x1024xf32>
    %swap3A_38 = vector.shape_cast %add3A_33 : vector<1024x1024xf32> to vector<1x1024x1024xf32>
    tpu.vector_store %arg6[%swap3A, %swap3A_34, %swap3A_35], %swap3A_38 {strides = array<i32>} : memref<1x1024x1024xf32, #tpu.memory_space<vmem>>, vector<1x1024x1024xf32>,
    return
  }
  func.func @transform_0(%arg0: i32, %arg1: i32) -> (i32, i32, i32) {
    %c0_i32 = arith.constant 0 : i32
    %c0_i32_0 = arith.constant 0 : i32
    return %arg1, %arg0, %c0_i32 : i32, i32, i32
  }
  func.func @transform_1(%arg0: i32, %arg1: i32) -> (i32, i32, i32) {
    %c0_i32 = arith.constant 0 : i32
    %c0_i32_0 = arith.constant 0 : i32
    %c0_i32_1 = arith.constant 0 : i32
    return %c0_i32, %arg0, %c0_i32_0 : i32, i32, i32
  }
  func.func @transform_2(%arg0: i32, %arg1: i32) -> (i32, i32) {
    %c0_i32 = arith.constant 0 : i32
    %c0_i32_0 = arith.constant 0 : i32
    %c0_i32_1 = arith.constant 0 : i32
    return %c0_i32, %c0_i32_0 : i32, i32
  }
  func.func @transform_3(%arg0: i32, %arg1: i32) -> (i32, i32) {
    %c0_i32 = arith.constant 0 : i32
    %c0_i32_0 = arith.constant 0 : i32
    %c0_i32_1 = arith.constant 0 : i32
    return %c0_i32, %c0_i32_0 : i32, i32
  }
  func.func @transform_4(%arg0: i32, %arg1: i32) -> (i32, i32, i32) {
    %c0_i32 = arith.constant 0 : i32
    %c0_i32_0 = arith.constant 0 : i32
    return %arg1, %arg0, %c0_i32 : i32, i32, i32
  }
}

</mosaic_0001>

<sc_bundles>
// kernel: kernel.6.cloned.1.call-start
scs
__scs_entry_jumppad:
0x0: {  	(pc) =	sbr.rel $0x88, $3  }
0x1: {  	(tag) =	ssettag $0x0;
	lr =	simm.s32 $0x1  }
0x2: {  	[smem:$0x3F9C] =	sst lr;
	_ =	strace $0xD0000000  }
0x3: {  	_ = 	snop  }
0x4: {  	_ = 	snop  }
0x5: {  	_ = 	snop  }
0x6: {  	_ = 	snop  }
0x7: {  	_ = 	snop  }
__scs_overlays_trampoline_lowered:
0x8: {  	[smem:$0x3FAB] =	sst s0  }
0x9: {  	[smem:$0x3FAC] =	sst s1  }
0xa: {  	[smem:$0x3FAD] =	sst s2  }
0xb: {  	[smem:$0x3FAE] =	sst s3  }
0xc: {  	[smem:$0x3FAF] =	sst s4  }
0xd: {  	[smem:$0x3FB0] =	sst s5  }
0xe: {  	[smem:$0x3FB1] =	sst s6  }
0xf: {  	[smem:$0x3FB2] =	sst s7  }
0x10: {  	[smem:$0x3FB3] =	sst s8  }
0x11: {  	[smem:$0x3FB4] =	sst s9;
	s0 =	simm.s32 @!p0 $0x0  }
0x12: {  	s1 =	sld [smem:$0x3F9A];
	s0 =	simm.s32 @p0 $0x1  }
0x13: {  	[smem:$0x3FB5] =	sst s0;
	s0 =	simm.s32 @!p1 $0x0  }
0x14: {  	s2 =	sld [smem:$0x3F99];
	s0 =	simm.s32 @p1 $0x1  }
0x15: {  	[smem:$0x3FB6] =	sst s0;
	s0 =	simm.s32 @!p2 $0x0  }
0x16: {  	s3 =	sld [smem:$0x3FDB];
	s0 =	simm.s32 @p2 $0x1  }
0x17: {  	s4 =	simm.s32 $0x1BF5;
	[smem:$0x3FB8] =	sst s0  }
0x18: {  	s0 =	sld [smem:$0x3F9B];
	_ =	swait.ge [sflag:s4], $0x0  }
0x19: {  	s7 =	sld [smem:$0x3F9C]  }
0x1a: {  	s8 =	sadd.s32 $0xFFFFE003, lr  }
0x1b: {  	s9 =	sadd.s32 $0xFFFFFEF7, lr;
	s5 =	simm.s32 $0xFFFFFFFF;
	p2 =	slt.u32 s8, $0xFFFFF086  }
0x1c: {  	p1 =	slt.u32 s9, $0xF7A;
	s5 =	simm.s32 @!p2 $0x0  }
0x1d: {  	s5 =	simm.s32 @p1 $0x1;
	p0 =	seq.s32 s7, s2  }
0x1e: {  	s7 =	smul.u32 @!p0 $0xF7A, s2;
	p2 =	seq.s32 @!p0 s5, $0x0  }
0x1f: {  	s9 =	smul.u32 $0xF7A, s1;
	s8 =	simm.s32 @!p0 $0x1BF5;
	p2 =	por !p2, p0  }
0x20: {  	[sflag:s8] =	ssyncset.s32 @!p0 $0xFFFFF086;
	s6 =	sadd.s32 @!p0 s3, s7;
	s7 =	simm.s32 @!p0 $0x108  }
0x21: {  	s3 =	sadd.s32 s3, s9;
	s6 =	sadd.s32 @!p0 $0x88, s6;
	s7 =	simm.s32 @p2 $0x1082  }
0x22: {  	[simem:s7], [sflag:s8] =	dma.local @!p0 [hbm:s6], $0xF7A  }
0x23: {  	s9 =	sor.u32 $0xD0000000, s2;
	s6 =	simm.s32 $0x108;
	_ =	swait.ge @!p0 [sflag:s8], $0x0  }
0x24: {  	s3 =	sadd.s32 $0x88, s3;
	s6 =	simm.s32 @!p1 $0x1082;
	[sflag:s4] =	ssyncset.s32 $0xFFFFF086  }
0x25: {  	[simem:s6], [sflag:s4] =	dma.local [hbm:s3], $0xF7A  }
0x26: {  	[smem:$0x3F9C] =	sst s1;
	(tag) =	ssettag s2;
	_ =	strace s9  }
0x27: {  	s1 =	sld [smem:$0x3FAC]  }
0x28: {  	s2 =	sld [smem:$0x3FAD]  }
0x29: {  	s4 =	sld [smem:$0x3FAF]  }
0x2a: {  	p0 =	seq.s32 s5, $0x0;
	s5 =	sld [smem:$0x3FB0]  }
0x2b: {  	s6 =	sld [smem:$0x3FB1]  }
0x2c: {  	s7 =	sld [smem:$0x3FB2]  }
0x2d: {  	s3 =	simm.s32 $0x108;
	s8 =	sld [smem:$0x3FB3]  }
0x2e: {  	s3 =	simm.s32 @!p0 $0x1082;
	s9 =	sld [smem:$0x3FB4]  }
0x2f: {  	lr =	sadd.s32 s0, s3;
	s0 =	sld [smem:$0x3FAB]  }
0x30: {  	s3 =	sld [smem:$0x3FAE]  }
0x31: {  	[smem:$0x3FB7] =	sst s10  }
0x32: {  	s10 =	sld [smem:$0x3FB5];
	_ =	sdelay $0x3  }
0x33: {  	p0 =	seq.s32 s10, $0x1;
	s10 =	sld [smem:$0x3FB7];
	_ =	sdelay $0x3  }
0x34: {  	[smem:$0x3FB7] =	sst s10  }
0x35: {  	s10 =	sld [smem:$0x3FB6];
	_ =	sdelay $0x3  }
0x36: {  	p1 =	seq.s32 s10, $0x1;
	s10 =	sld [smem:$0x3FB7];
	_ =	sdelay $0x3  }
0x37: {  	[smem:$0x3FB7] =	sst s10  }
0x38: {  	s10 =	sld [smem:$0x3FB8]  }
0x39: {  	_ = 	snop;
	(pc) =	sbr.ind lr, $3  }
0x3a: {  	_ = 	snop  }
0x3b: {  	_ = 	snop  }
0x3c: {  	p2 =	seq.s32 s10, $0x1;
	s10 =	sld [smem:$0x3FB7]  }
0x3d: {  	_ =	shalt  }
0x3e: {  	_ =	shalt  }
0x3f: {  	_ =	shalt  }
0x40: {  	_ =	shalt  }
0x41: {  	_ =	shalt  }
0x42: {  	_ =	shalt  }
0x43: {  	_ =	shalt  }
0x44: {  	_ =	shalt  }
0x45: {  	_ =	shalt  }
0x46: {  	_ =	shalt  }
0x47: {  	_ =	shalt  }
0x48: {  	_ =	shalt  }
0x49: {  	_ =	shalt  }
0x4a: {  	_ =	shalt  }
0x4b: {  	_ =	shalt  }
0x4c: {  	_ =	shalt  }
0x4d: {  	_ =	shalt  }
0x4e: {  	_ =	shalt  }
0x4f: {  	_ =	shalt  }
0x50: {  	_ =	shalt  }
0x51: {  	_ =	shalt  }
0x52: {  	_ =	shalt  }
0x53: {  	_ =	shalt  }
0x54: {  	_ =	shalt  }
0x55: {  	_ =	shalt  }
0x56: {  	_ =	shalt  }
0x57: {  	_ =	shalt  }
0x58: {  	_ =	shalt  }
0x59: {  	_ =	shalt  }
0x5a: {  	_ =	shalt  }
0x5b: {  	_ =	shalt  }
0x5c: {  	_ =	shalt  }
0x5d: {  	_ =	shalt  }
0x5e: {  	_ =	shalt  }
0x5f: {  	_ =	shalt  }
0x60: {  	_ =	shalt  }
0x61: {  	_ =	shalt  }
0x62: {  	_ =	shalt  }
0x63: {  	_ =	shalt  }
0x64: {  	_ =	shalt  }
0x65: {  	_ =	shalt  }
0x66: {  	_ =	shalt  }
0x67: {  	_ =	shalt  }
0x68: {  	_ =	shalt  }
0x69: {  	_ =	shalt  }
0x6a: {  	_ =	shalt  }
0x6b: {  	_ =	shalt  }
0x6c: {  	_ =	shalt  }
0x6d: {  	_ =	shalt  }
0x6e: {  	_ =	shalt  }
0x6f: {  	_ =	shalt  }
0x70: {  	_ =	shalt  }
0x71: {  	_ =	shalt  }
0x72: {  	_ =	shalt  }
0x73: {  	_ =	shalt  }
0x74: {  	_ =	shalt  }
0x75: {  	_ =	shalt  }
0x76: {  	_ =	shalt  }
0x77: {  	_ =	shalt  }
0x78: {  	_ =	shalt  }
0x79: {  	_ =	shalt  }
0x7a: {  	_ =	shalt  }
0x7b: {  	_ =	shalt  }
0x7c: {  	_ =	shalt  }
0x7d: {  	_ =	shalt  }
0x7e: {  	_ =	shalt  }
0x7f: {  	_ =	shalt  }
0x80: {  	_ =	shalt  }
0x81: {  	_ =	shalt  }
0x82: {  	_ =	shalt  }
0x83: {  	_ =	shalt  }
0x84: {  	_ =	shalt  }
0x85: {  	_ =	shalt  }
0x86: {  	_ =	shalt  }
0x87: {  	_ =	shalt  }
.Lfunc_end0:
.L_simem_size_0:
called_computation_lowered:
.L_overlay_start_0:
0x88: {  	s2 =	sld [smem:$0x3FD9]  }
0x89: {  	s3 =	sld [smem:$0x3FFE];
	_ =	sdelay $0x1  }
0x8a: {  	s1 =	srdreg.scid  }
0x8b: {  	s0 =	sand.u32 $0x1, s1  }
0x8c: {  	s17 =	sshll.u32 s0, $0xA;
	s2 =	sadd.s32 s3, s2  }
0x8d: {  	s2 =	sadd.s32 s2, s17  }
0x8e: {  	[smem:$0x3FC3] =	sst s2  }
0x8f: {  	_ = 	snop  }
0x90: {  	s2 =	sld [smem:$0x3FC8]  }
0x91: {  	s18 =	sld [smem:$0x3FD0];
	(tm) =	ssettm $0x1  }
0x92: {  	s4 =	sld [smem:$0x3FFB];
	_ =	sdelay $0x3  }
0x93: {  	_ =	strace s4  }
0x94: {  	s4 =	sld [smem:$0x3FFC];
	_ =	sdelay $0x3  }
0x95: {  	_ =	strace s4  }
0x96: {  	s4 =	sld [smem:$0x3FFD];
	_ =	sdelay $0x3  }
0x97: {  	_ =	strace s4  }
0x98: {  	_ =	strace $0x8FFFFFFF  }
0x99: {  	s19 =	sld [smem:$0x3FDB];
	_ =	sdelay $0x1  }
0x9a: {  	s5 =	simm.s32 $_scs_section_size  }
0x9b: {  	s6 =	simm.s32 $_size__tile_overlayer_lowered;
	s7 =	simm.s32 $_tile_overlayer_lowered  }
0x9c: {  	s22 =	simm.s32 $0x1BFF;
	s21 =	sshll.u32 s7, $0x1;
	s4 =	sadd.s32 s5, s19  }
0x9d: {  	s8 =	simm.s32 $0x0;
	s20 =	sshll.u32 s6, $0x1;
	s6 =	sadd.s32 s21, s4  }
0x9e: {  	[timem:s8], [sflag:s22] =	dma.local [hbm:s6], s20  }
0x9f: {  	_ =	swait.ge [sflag:s22], s20  }
0xa0: {  	s5 =	ssub.s32 $0x0, s20;
	[sflag:s22] =	ssyncset.done $0x0  }
0xa1: {  	[sflag:s22] =	ssyncadd.s32 s5;
	_ =	sdelay $0x1  }
0xa2: {  	s23 =	simm.s32 $0x1B8B  }
0xa3: {  	_ =	swait.ge [sflag:s23], $0x1  }
0xa4: {  	[sflag:s23] =	ssyncset.done $0x0  }
0xa5: {  	s25 =	simm.s32 $0x1B8E;
	s24 =	sld [smem:$0x3FFE];
	[sflag:s23] =	ssyncadd.s32 $0xFFFFFFFF  }
0xa6: {  	s26 =	simm.s32 $execute0_lowered;
	[smem:$0x3FD2] =	sst s25  }
0xa7: {  	s6 =	sshll.u32 s26, $0x1;
	_ =	strace $0x80000046;
	[dreg:$0x1] =	wrdreg $0xFFFFFFFF  }
0xa8: {  	s28 =	simm.s32 $_size_execute0_lowered;
	s4 =	sadd.s32 s4, s6;
	[dreg:$0x0] =	wrdreg $0x0  }
0xa9: {  	s6 =	sshll.u32 s28, $0x1;
	[dreg:$0x2] =	wrdreg s4  }
0xaa: {  	[dreg:$0x3] =	wrdreg s6  }
0xab: {  	[dreg:$0x4] =	wrdreg $0xC0  }
0xac: {  	_ =	task [dreg:s8], $0x5FFFF  }
0xad: {  	[dreg:$0x1] =	wrdreg $0xFFFFFFFF  }
0xae: {  	[dreg:$0x0] =	wrdreg $0x60  }
0xaf: {  	[dreg:$0x2] =	wrdreg s18  }
0xb0: {  	[dreg:$0x3] =	wrdreg s2  }
0xb1: {  	[dreg:$0x4] =	wrdreg s24  }
0xb2: {  	[dreg:$0x5] =	wrdreg $0x9  }
0xb3: {  	_ =	task.clear_ibuf [dreg:s8], $0x6FFFF;
	_ =	strace $0x90000046  }
0xb4: {  	s29 =	simm.s32 $0x9;
	_ =	strace $0x80000048  }
0xb5: {  	_ =	swait.ge [sflag:s29], $0x1  }
0xb6: {  	[sflag:s29] =	ssyncadd.s32 $0xFFFFFFFF  }
0xb7: {  	_ =	strace $0x90000048  }
0xb8: {  	_ =	sfence  }
0xb9: {  	s30 =	sld [smem:$0x0];
	_ =	sdelay $0x2  }
0xba: {  	s31 =	sshll.u32 s1, $0xD;
	s1 =	sshrl.u32 s1, $0x2  }
0xbb: {  	s3 =	sand.u32 $0x4000, s31;
	s1 =	sadd.s32 s1, s30  }
0xbc: {  	s0 =	sor.u32 s3, s0;
	s1 =	sshll.u32 s1, $0x11  }
0xbd: {  	s0 =	sor.u32 s1, s0  }
0xbe: {  	s0 =	sadd.s32 $0x8F2B, s0  }
0xbf: {  	[sflag:s0] =	ssyncadd.remote.s32 $0x1  }
0xc0: {  	_ =	sfence.sel $0xFFFF  }
0xc1: {  	[dreg:$0x0] =	wrdreg $0xFFFFFFFF;
	(pc) =	sbr.abs _section_cstart, $3  }
0xc2: {  	[dreg:$0x1] =	wrdreg $0xFFFFFFFF  }
0xc3: {  	_ =	task.clear_ibuf [dreg:s8], $0x2FFFF;
	_ =	strace $0x9FFFFFFF  }
0xc4: {  	(tm) =	ssettm $0x7FFFFFFF  }
0xc5: {  	_ =	shalt  }
tec
execute0_lowered:
.L_overlay_start_1:
0x0: {  	(tag) =	ssettag $0x1  }
0x1: {  	s1 =	rddreg [dreg:$0x0]  }
0x2: {  	s3 =	srdreg.scid;
	s2 =	rddreg [dreg:$0x1]  }
0x3: {  	s5 =	rddreg [dreg:$0x2];
	s4 =	sand.u32 $0x1, s3;
	s3 =	simm.s32 $0x0  }
0x4: {  	s17 =	simm.s32 $0x8880;
	[smem:$0x7FF] =	sst s3  }
0x5: {  	s18 =	simm.s32 $0x9080;
	_ =	strace $0x80000047;
	[dreg:$0x9] =	wrdreg s17  }
0x6: {  	s19 =	simm.s32 $0x9880;
	[dreg:$0xa] =	wrdreg s18  }
0x7: {  	s20 =	simm.s32 $0xA080;
	[dreg:$0xb] =	wrdreg s19  }
0x8: {  	s21 =	simm.s32 $0xA880;
	[dreg:$0xc] =	wrdreg s20  }
0x9: {  	s22 =	simm.s32 $0xB080;
	[dreg:$0xd] =	wrdreg s21  }
0xa: {  	s0 =	stileid.u32;
	s23 =	simm.s32 $0xB880;
	[dreg:$0xe] =	wrdreg s22  }
0xb: {  	s24 =	simm.s32 $0xC080;
	s26 =	simm.s32 $0xC880;
	[dreg:$0xf] =	wrdreg s23  }
0xc: {  	s8 =	simm.s32 $0xE080;
	s9 =	simm.s32 $0xE880;
	[dreg:$0x10] =	wrdreg s24  }
0xd: {  	s10 =	simm.s32 $0xF080;
	s11 =	simm.s32 $0xF880;
	[dreg:$0x11] =	wrdreg s26  }
0xe: {  	s12 =	simm.s32 $0x10880;
	s28 =	simm.s32 $0x1;
	[dreg:$0x14] =	wrdreg s8  }
0xf: {  	s29 =	simm.s32 $0x4;
	s30 =	simm.s32 $0x2;
	[dreg:$0x15] =	wrdreg s9  }
0x10: {  	s31 =	simm.s32 $0x3;
	s6 =	sshll.u32 s0, $0x8;
	[dreg:$0x16] =	wrdreg s10  }
0x11: {  	s7 =	sshll.u32 s4, $0x7;
	s4 =	ssub.s32 $0x2, s4;
	[dreg:$0x17] =	wrdreg s11  }
0x12: {  	s6 =	sor.u32 s7, s6;
	[dreg:$0x18] =	wrdreg s12;
	s17 =	simm.s32 $0x13080  }
0x13: {  	s25 =	sshrl.u32 s4, $0x1;
	s18 =	simm.s32 $0x13880;
	[dreg:$0x1d] =	wrdreg s17  }
0x14: {  	s9 =	simm.s32 $0x80;
	s19 =	simm.s32 $0x14080;
	[dreg:$0x1e] =	wrdreg s18  }
0x15: {  	s20 =	simm.s32 $0x14880;
	s21 =	simm.s32 $0x15080;
	[dreg:$0x1f] =	wrdreg s19  }
0x16: {  	s22 =	simm.s32 $0x15880;
	s23 =	simm.s32 $0x16080;
	[smem:$0x7F7] =	sst s20  }
0x17: {  	s24 =	simm.s32 $0x16880;
	s26 =	simm.s32 $0x17880;
	[smem:$0x7F8] =	sst s21  }
0x18: {  	s11 =	simm.s32 $0x880;
	s12 =	simm.s32 $0x1080;
	[smem:$0x7F9] =	sst s22  }
0x19: {  	s8 =	simm.s32 $0x10080;
	s7 =	sshll.u32 s6, $0x7;
	[smem:$0x7FA] =	sst s23  }
0x1a: {  	s6 =	sshrl.u32 s6, $0x3;
	s0 =	ssub.s32 s4, s25;
	[smem:$0x7FB] =	sst s24  }
0x1b: {  	s4 =	sadd.s32 $0x100, s2;
	s25 =	simm.s32 $0x17080;
	[smem:$0x7FD] =	sst s26  }
0x1c: {  	s17 =	simm.s32 $0x3880;
	s18 =	simm.s32 $0x4080;
	s19 =	simm.s32 $0x4880  }
0x1d: {  	s20 =	simm.s32 $0x5080;
	s1 =	sadd.s32 s1, s6;
	[smem:$0x7FC] =	sst s25  }
0x1e: {  	s5 =	sadd.s32 s7, s5;
	s6 =	simm.s32 $0xD880;
	[dreg:$0x4] =	wrdreg s1  }
0x1f: {  	s21 =	simm.s32 $0x5880;
	s13 =	sadd.s32 $0x1400, s5;
	[dreg:$0x13] =	wrdreg s6  }
0x20: {  	s22 =	simm.s32 $0x6080;
	s14 =	sadd.s32 $0x2400, s5;
	[dreg:$0x5] =	wrdreg s13  }
0x21: {  	s23 =	simm.s32 $0x6880;
	s15 =	sadd.s32 $0x3400, s5;
	[dreg:$0x6] =	wrdreg s14  }
0x22: {  	s24 =	simm.s32 $0x7080;
	s16 =	sadd.s32 $0x4400, s5;
	[dreg:$0x7] =	wrdreg s15  }
0x23: {  	s26 =	simm.s32 $0x8080;
	s5 =	simm.s32 $0xD080;
	[dreg:$0x8] =	wrdreg s16  }
0x24: {  	s7 =	smax.u32 s0, $0x1;
	[dreg:$0x12] =	wrdreg s5;
	s13 =	simm.s32 $0x11080  }
0x25: {  	s25 =	simm.s32 $0x7880;
	s14 =	simm.s32 $0x11880;
	[dreg:$0x19] =	wrdreg s13  }
0x26: {  	s6 =	sadd.s32 $0x300, s2;
	s15 =	simm.s32 $0x12080;
	[dreg:$0x1a] =	wrdreg s14  }
0x27: {  	v2 =	vlaneseq.u32;
	s1 =	simm.s32 $0x6;
	s16 =	simm.s32 $0x12880;
	[dreg:$0x1b] =	wrdreg s15  }
0x28: {  	vm0 =	vmmov $0xffff;
	v1 =	vshrl.u32 v2, $0x3;
	s5 =	sadd.s32 $0x200, s2;
	[dreg:$0x1c] =	wrdreg s16;
	s13 =	simm.s32 $0x1880  }
0x29: {  	v0 =	vand.u32 $0x7, v2;
	v2 =	vor.u32 $0x8, v2;
	v1 =	vmul.u32 $0x8, v1;
	s14 =	simm.s32 $0x2080;
	s15 =	simm.s32 $0x2880;
	s16 =	simm.s32 $0x3080  }
.LBB2_1:
0x2a: {  	s0 =	rddreg [dreg:$0x4];
	s10 =	simm.s32 $0x7  }
0x2b: {  	[tilespmem:s3], [sflag:$0x7] =	stream.linear.gather [hbm4b:s0+s3], $0x80, $0x38;
	[tilespmem:$0x18080] =	vst v63  }
0x2c: {  	_ =	swait.ge [sflag:s10], $0x80  }
0x2d: {  	[sflag:s10] =	ssyncset.done $0x0  }
0x2e: {  	[sflag:s10] =	ssyncadd.s32 $0xFFFFFF80  }
0x2f: {  	v3 =	vld [tilespmem:$0x0];
	_ =	sdelay $0x4  }
0x30: {  	v4 =	vshll.u32 v3, $0x3  }
0x31: {  	v3 =	vand.u32 $0x7, v3;
	v4 =	vand.u32 $0xFFFFFFC0, v4  }
0x32: {  	v3 =	vor.u32 v3, v4  }
0x33: {  	v4 =	vperm.xlane v3, v0;
	_ =	sdelay $0x1  }
0x34: {  	v4 =	vadd.s32 v1, v4;
	_ =	sdelay $0x4  }
0x35: {  	[tilespmem:s9], [sflag:$0x1] =	stream.indirect_vreg.gather [hbm4b:s2+s3], $0x80, v4, vm0, $0xb8;
	[tilespmem:$0x18080] =	vst v63  }
0x36: {  	v3 =	vperm.xlane v3, v2  }
0x37: {  	[tilespmem:s11], [sflag:$0x1] =	stream.indirect_vreg.gather [hbm4b:s4+s3], $0x80, v4, vm0, $0xb8;
	[tilespmem:$0x18080] =	vst v63  }
0x38: {  	v3 =	vadd.s32 v1, v3  }
0x39: {  	[tilespmem:s12], [sflag:$0x1] =	stream.indirect_vreg.gather [hbm4b:s5+s3], $0x80, v4, vm0, $0xb8;
	[tilespmem:$0x18080] =	vst v63  }
0x3a: {  	_ = 	snop  }
0x3b: {  	[tilespmem:s13], [sflag:$0x1] =	stream.indirect_vreg.gather [hbm4b:s6+s3], $0x80, v4, vm0, $0xb8;
	[tilespmem:$0x18080] =	vst v63  }
0x3c: {  	_ = 	snop  }
0x3d: {  	[tilespmem:s14], [sflag:$0x1] =	stream.indirect_vreg.gather [hbm4b:s2+s3], $0x80, v3, vm0, $0xb8;
	[tilespmem:$0x18080] =	vst v63  }
0x3e: {  	_ = 	snop  }
0x3f: {  	[tilespmem:s15], [sflag:$0x1] =	stream.indirect_vreg.gather [hbm4b:s4+s3], $0x80, v3, vm0, $0xb8;
	[tilespmem:$0x18080] =	vst v63  }
0x40: {  	_ = 	snop  }
0x41: {  	[tilespmem:s16], [sflag:$0x1] =	stream.indirect_vreg.gather [hbm4b:s5+s3], $0x80, v3, vm0, $0xb8;
	[tilespmem:$0x18080] =	vst v63  }
0x42: {  	_ = 	snop  }
0x43: {  	[tilespmem:s17], [sflag:$0x1] =	stream.indirect_vreg.gather [hbm4b:s6+s3], $0x80, v3, vm0, $0xb8;
	[tilespmem:$0x18080] =	vst v63  }
0x44: {  	v3 =	vld [tilespmem:$0x10];
	_ =	sdelay $0x4  }
0x45: {  	v57 =	vshll.u32 v3, $0x3  }
0x46: {  	v3 =	vand.u32 $0x7, v3;
	v4 =	vand.u32 $0xFFFFFFC0, v57  }
0x47: {  	v3 =	vor.u32 v3, v4  }
0x48: {  	v4 =	vperm.xlane v3, v0;
	_ =	sdelay $0x1  }
0x49: {  	v4 =	vadd.s32 v1, v4;
	_ =	sdelay $0x4  }
0x4a: {  	[tilespmem:s18], [sflag:$0x1] =	stream.indirect_vreg.gather [hbm4b:s2+s3], $0x80, v4, vm0, $0xb8;
	[tilespmem:$0x18080] =	vst v63  }
0x4b: {  	v3 =	vperm.xlane v3, v2  }
0x4c: {  	[tilespmem:s19], [sflag:$0x1] =	stream.indirect_vreg.gather [hbm4b:s4+s3], $0x80, v4, vm0, $0xb8;
	[tilespmem:$0x18080] =	vst v63  }
0x4d: {  	v3 =	vadd.s32 v1, v3  }
0x4e: {  	[tilespmem:s20], [sflag:$0x1] =	stream.indirect_vreg.gather [hbm4b:s5+s3], $0x80, v4, vm0, $0xb8;
	[tilespmem:$0x18080] =	vst v63  }
0x4f: {  	_ = 	snop  }
0x50: {  	[tilespmem:s21], [sflag:$0x1] =	stream.indirect_vreg.gather [hbm4b:s6+s3], $0x80, v4, vm0, $0xb8;
	[tilespmem:$0x18080] =	vst v63  }
0x51: {  	_ = 	snop  }
0x52: {  	[tilespmem:s22], [sflag:$0x1] =	stream.indirect_vreg.gather [hbm4b:s2+s3], $0x80, v3, vm0, $0xb8;
	[tilespmem:$0x18080] =	vst v63  }
0x53: {  	_ = 	snop  }
0x54: {  	[tilespmem:s23], [sflag:$0x1] =	stream.indirect_vreg.gather [hbm4b:s4+s3], $0x80, v3, vm0, $0xb8;
	[tilespmem:$0x18080] =	vst v63  }
0x55: {  	_ = 	snop  }
0x56: {  	[tilespmem:s24], [sflag:$0x1] =	stream.indirect_vreg.gather [hbm4b:s5+s3], $0x80, v3, vm0, $0xb8;
	[tilespmem:$0x18080] =	vst v63  }
0x57: {  	_ = 	snop  }
0x58: {  	[tilespmem:s25], [sflag:$0x1] =	stream.indirect_vreg.gather [hbm4b:s6+s3], $0x80, v3, vm0, $0xb8;
	[tilespmem:$0x18080] =	vst v63  }
0x59: {  	v3 =	vld [tilespmem:$0x20];
	_ =	sdelay $0x4  }
0x5a: {  	v58 =	vshll.u32 v3, $0x3  }
0x5b: {  	v3 =	vand.u32 $0x7, v3;
	v4 =	vand.u32 $0xFFFFFFC0, v58  }
0x5c: {  	v3 =	vor.u32 v3, v4  }
0x5d: {  	v4 =	vperm.xlane v3, v0;
	_ =	sdelay $0x1  }
0x5e: {  	v4 =	vadd.s32 v1, v4;
	_ =	sdelay $0x4  }
0x5f: {  	[tilespmem:s26], [sflag:$0x2] =	stream.indirect_vreg.gather [hbm4b:s2+s3], $0x80, v4, vm0, $0xb8;
	[tilespmem:$0x18080] =	vst v63  }
0x60: {  	s0 =	rddreg [dreg:$0x9];
	v3 =	vperm.xlane v3, v2  }
0x61: {  	[tilespmem:s0], [sflag:$0x2] =	stream.indirect_vreg.gather [hbm4b:s4+s3], $0x80, v4, vm0, $0xb8;
	[tilespmem:$0x18080] =	vst v63  }
0x62: {  	s10 =	rddreg [dreg:$0xa];
	v3 =	vadd.s32 v1, v3  }
0x63: {  	[tilespmem:s10], [sflag:$0x2] =	stream.indirect_vreg.gather [hbm4b:s5+s3], $0x80, v4, vm0, $0xb8;
	[tilespmem:$0x18080] =	vst v63  }
0x64: {  	s0 =	rddreg [dreg:$0xb]  }
0x65: {  	[tilespmem:s0], [sflag:$0x2] =	stream.indirect_vreg.gather [hbm4b:s6+s3], $0x80, v4, vm0, $0xb8;
	[tilespmem:$0x18080] =	vst v63  }
0x66: {  	s10 =	rddreg [dreg:$0xc]  }
0x67: {  	[tilespmem:s10], [sflag:$0x2] =	stream.indirect_vreg.gather [hbm4b:s2+s3], $0x80, v3, vm0, $0xb8;
	[tilespmem:$0x18080] =	vst v63  }
0x68: {  	s0 =	rddreg [dreg:$0xd]  }
0x69: {  	[tilespmem:s0], [sflag:$0x2] =	stream.indirect_vreg.gather [hbm4b:s4+s3], $0x80, v3, vm0, $0xb8;
	[tilespmem:$0x18080] =	vst v63  }
0x6a: {  	s10 =	rddreg [dreg:$0xe]  }
0x6b: {  	[tilespmem:s10], [sflag:$0x2] =	stream.indirect_vreg.gather [hbm4b:s5+s3], $0x80, v3, vm0, $0xb8;
	[tilespmem:$0x18080] =	vst v63  }
0x6c: {  	s0 =	rddreg [dreg:$0xf]  }
0x6d: {  	[tilespmem:s0], [sflag:$0x2] =	stream.indirect_vreg.gather [hbm4b:s6+s3], $0x80, v3, vm0, $0xb8;
	[tilespmem:$0x18080] =	vst v63  }
0x6e: {  	v3 =	vld [tilespmem:$0x30];
	_ =	sdelay $0x4  }
0x6f: {  	v59 =	vshll.u32 v3, $0x3  }
0x70: {  	v3 =	vand.u32 $0x7, v3;
	v4 =	vand.u32 $0xFFFFFFC0, v59  }
0x71: {  	v3 =	vor.u32 v3, v4  }
0x72: {  	v4 =	vperm.xlane v3, v0;
	_ =	sdelay $0x1  }
0x73: {  	v4 =	vadd.s32 v1, v4;
	_ =	sdelay $0x3  }
0x74: {  	s0 =	rddreg [dreg:$0x10]  }
0x75: {  	[tilespmem:s0], [sflag:$0x2] =	stream.indirect_vreg.gather [hbm4b:s2+s3], $0x80, v4, vm0, $0xb8;
	[tilespmem:$0x18080] =	vst v63  }
0x76: {  	s10 =	rddreg [dreg:$0x11];
	v3 =	vperm.xlane v3, v2  }
0x77: {  	[tilespmem:s10], [sflag:$0x2] =	stream.indirect_vreg.gather [hbm4b:s4+s3], $0x80, v4, vm0, $0xb8;
	[tilespmem:$0x18080] =	vst v63  }
0x78: {  	v3 =	vadd.s32 v1, v3;
	s0 =	rddreg [dreg:$0x12]  }
0x79: {  	[tilespmem:s0], [sflag:$0x2] =	stream.indirect_vreg.gather [hbm4b:s5+s3], $0x80, v4, vm0, $0xb8;
	[tilespmem:$0x18080] =	vst v63  }
0x7a: {  	s10 =	rddreg [dreg:$0x13]  }
0x7b: {  	[tilespmem:s10], [sflag:$0x2] =	stream.indirect_vreg.gather [hbm4b:s6+s3], $0x80, v4, vm0, $0xb8;
	[tilespmem:$0x18080] =	vst v63  }
0x7c: {  	s0 =	rddreg [dreg:$0x14]  }
0x7d: {  	[tilespmem:s0], [sflag:$0x2] =	stream.indirect_vreg.gather [hbm4b:s2+s3], $0x80, v3, vm0, $0xb8;
	[tilespmem:$0x18080] =	vst v63  }
0x7e: {  	s10 =	rddreg [dreg:$0x15]  }
0x7f: {  	[tilespmem:s10], [sflag:$0x2] =	stream.indirect_vreg.gather [hbm4b:s4+s3], $0x80, v3, vm0, $0xb8;
	[tilespmem:$0x18080] =	vst v63  }
0x80: {  	s0 =	rddreg [dreg:$0x16]  }
0x81: {  	[tilespmem:s0], [sflag:$0x2] =	stream.indirect_vreg.gather [hbm4b:s5+s3], $0x80, v3, vm0, $0xb8;
	[tilespmem:$0x18080] =	vst v63  }
0x82: {  	s10 =	rddreg [dreg:$0x17]  }
0x83: {  	[tilespmem:s10], [sflag:$0x2] =	stream.indirect_vreg.gather [hbm4b:s6+s3], $0x80, v3, vm0, $0xb8;
	[tilespmem:$0x18080] =	vst v63  }
0x84: {  	v3 =	vld [tilespmem:$0x40];
	_ =	sdelay $0x4  }
0x85: {  	v60 =	vshll.u32 v3, $0x3  }
0x86: {  	v3 =	vand.u32 $0x7, v3;
	v4 =	vand.u32 $0xFFFFFFC0, v60  }
0x87: {  	v3 =	vor.u32 v3, v4  }
0x88: {  	v4 =	vperm.xlane v3, v0;
	_ =	sdelay $0x1  }
0x89: {  	v4 =	vadd.s32 v1, v4;
	_ =	sdelay $0x4  }
0x8a: {  	[tilespmem:s8], [sflag:$0x3] =	stream.indirect_vreg.gather [hbm4b:s2+s3], $0x80, v4, vm0, $0xb8;
	[tilespmem:$0x18080] =	vst v63  }
0x8b: {  	s0 =	rddreg [dreg:$0x18];
	v3 =	vperm.xlane v3, v2  }
0x8c: {  	[tilespmem:s0], [sflag:$0x3] =	stream.indirect_vreg.gather [hbm4b:s4+s3], $0x80, v4, vm0, $0xb8;
	[tilespmem:$0x18080] =	vst v63  }
0x8d: {  	s10 =	rddreg [dreg:$0x19];
	v3 =	vadd.s32 v1, v3  }
0x8e: {  	[tilespmem:s10], [sflag:$0x3] =	stream.indirect_vreg.gather [hbm4b:s5+s3], $0x80, v4, vm0, $0xb8;
	[tilespmem:$0x18080] =	vst v63  }
0x8f: {  	s0 =	rddreg [dreg:$0x1a]  }
0x90: {  	[tilespmem:s0], [sflag:$0x3] =	stream.indirect_vreg.gather [hbm4b:s6+s3], $0x80, v4, vm0, $0xb8;
	[tilespmem:$0x18080] =	vst v63  }
0x91: {  	s10 =	rddreg [dreg:$0x1b]  }
0x92: {  	[tilespmem:s10], [sflag:$0x3] =	stream.indirect_vreg.gather [hbm4b:s2+s3], $0x80, v3, vm0, $0xb8;
	[tilespmem:$0x18080] =	vst v63  }
0x93: {  	s0 =	rddreg [dreg:$0x1c]  }
0x94: {  	[tilespmem:s0], [sflag:$0x3] =	stream.indirect_vreg.gather [hbm4b:s4+s3], $0x80, v3, vm0, $0xb8;
	[tilespmem:$0x18080] =	vst v63  }
0x95: {  	s10 =	rddreg [dreg:$0x1d]  }
0x96: {  	[tilespmem:s10], [sflag:$0x3] =	stream.indirect_vreg.gather [hbm4b:s5+s3], $0x80, v3, vm0, $0xb8;
	[tilespmem:$0x18080] =	vst v63  }
0x97: {  	s0 =	rddreg [dreg:$0x1e]  }
0x98: {  	[tilespmem:s0], [sflag:$0x3] =	stream.indirect_vreg.gather [hbm4b:s6+s3], $0x80, v3, vm0, $0xb8;
	[tilespmem:$0x18080] =	vst v63  }
0x99: {  	v3 =	vld [tilespmem:$0x50];
	_ =	sdelay $0x4  }
0x9a: {  	v61 =	vshll.u32 v3, $0x3  }
0x9b: {  	v3 =	vand.u32 $0x7, v3;
	v4 =	vand.u32 $0xFFFFFFC0, v61  }
0x9c: {  	v3 =	vor.u32 v3, v4  }
0x9d: {  	v4 =	vperm.xlane v3, v0;
	_ =	sdelay $0x1  }
0x9e: {  	v4 =	vadd.s32 v1, v4;
	_ =	sdelay $0x2  }
0x9f: {  	s10 =	sld [smem:$0x7F7]  }
0xa0: {  	s0 =	rddreg [dreg:$0x1f]  }
0xa1: {  	[tilespmem:s0], [sflag:$0x3] =	stream.indirect_vreg.gather [hbm4b:s2+s3], $0x80, v4, vm0, $0xb8;
	[tilespmem:$0x18080] =	vst v63  }
0xa2: {  	v3 =	vperm.xlane v3, v2;
	s0 =	sld [smem:$0x7F8]  }
0xa3: {  	[tilespmem:s10], [sflag:$0x3] =	stream.indirect_vreg.gather [hbm4b:s4+s3], $0x80, v4, vm0, $0xb8;
	[tilespmem:$0x18080] =	vst v63  }
0xa4: {  	v3 =	vadd.s32 v1, v3;
	s10 =	sld [smem:$0x7F9]  }
0xa5: {  	[tilespmem:s0], [sflag:$0x3] =	stream.indirect_vreg.gather [hbm4b:s5+s3], $0x80, v4, vm0, $0xb8;
	[tilespmem:$0x18080] =	vst v63  }
0xa6: {  	s0 =	sld [smem:$0x7FA]  }
0xa7: {  	[tilespmem:s10], [sflag:$0x3] =	stream.indirect_vreg.gather [hbm4b:s6+s3], $0x80, v4, vm0, $0xb8;
	[tilespmem:$0x18080] =	vst v63  }
0xa8: {  	s10 =	sld [smem:$0x7FB]  }
0xa9: {  	[tilespmem:s0], [sflag:$0x3] =	stream.indirect_vreg.gather [hbm4b:s2+s3], $0x80, v3, vm0, $0xb8;
	[tilespmem:$0x18080] =	vst v63  }
0xaa: {  	s0 =	sld [smem:$0x7FC]  }
0xab: {  	[tilespmem:s10], [sflag:$0x3] =	stream.indirect_vreg.gather [hbm4b:s4+s3], $0x80, v3, vm0, $0xb8;
	[tilespmem:$0x18080] =	vst v63  }
0xac: {  	s10 =	sld [smem:$0x7FD]  }
0xad: {  	[tilespmem:s0], [sflag:$0x3] =	stream.indirect_vreg.gather [hbm4b:s5+s3], $0x80, v3, vm0, $0xb8;
	[tilespmem:$0x18080] =	vst v63  }
0xae: {  	_ = 	snop  }
0xaf: {  	[tilespmem:s10], [sflag:$0x3] =	stream.indirect_vreg.gather [hbm4b:s6+s3], $0x80, v3, vm0, $0xb8;
	[tilespmem:$0x18080] =	vst v63  }
0xb0: {  	_ =	swait.ge [sflag:s28], $0x8000  }
0xb1: {  	[sflag:s28] =	ssyncset.done $0x0  }
0xb2: {  	s10 =	rddreg [dreg:$0x5];
	[sflag:s28] =	ssyncadd.s32 $0xFFFF8000  }
0xb3: {  	[hbm4b:s10+s3] =	stream.linear.scatter [tilespmem:s9], [sflag:$0x4], $0x8000, $0x38;
	[tilespmem:$0x18080] =	vst v63  }
0xb4: {  	_ =	swait.ge [sflag:s29], $0x8000  }
0xb5: {  	[sflag:s29] =	ssyncset.done $0x0  }
0xb6: {  	[sflag:s29] =	ssyncadd.s32 $0xFFFF8000  }
0xb7: {  	v3 =	vld [tilespmem:$0x60];
	_ =	sdelay $0x4  }
0xb8: {  	v62 =	vshll.u32 v3, $0x3  }
0xb9: {  	v3 =	vand.u32 $0x7, v3;
	v4 =	vand.u32 $0xFFFFFFC0, v62  }
0xba: {  	v3 =	vor.u32 v3, v4  }
0xbb: {  	v4 =	vperm.xlane v3, v0;
	_ =	sdelay $0x1  }
0xbc: {  	v4 =	vadd.s32 v1, v4;
	_ =	sdelay $0x4  }
0xbd: {  	[tilespmem:s9], [sflag:$0x1] =	stream.indirect_vreg.gather [hbm4b:s2+s3], $0x80, v4, vm0, $0xb8;
	[tilespmem:$0x18080] =	vst v63  }
0xbe: {  	v3 =	vperm.xlane v3, v2  }
0xbf: {  	[tilespmem:s11], [sflag:$0x1] =	stream.indirect_vreg.gather [hbm4b:s4+s3], $0x80, v4, vm0, $0xb8;
	[tilespmem:$0x18080] =	vst v63  }
0xc0: {  	v3 =	vadd.s32 v1, v3  }
0xc1: {  	[tilespmem:s12], [sflag:$0x1] =	stream.indirect_vreg.gather [hbm4b:s5+s3], $0x80, v4, vm0, $0xb8;
	[tilespmem:$0x18080] =	vst v63  }
0xc2: {  	_ = 	snop  }
0xc3: {  	[tilespmem:s13], [sflag:$0x1] =	stream.indirect_vreg.gather [hbm4b:s6+s3], $0x80, v4, vm0, $0xb8;
	[tilespmem:$0x18080] =	vst v63  }
0xc4: {  	_ = 	snop  }
0xc5: {  	[tilespmem:s14], [sflag:$0x1] =	stream.indirect_vreg.gather [hbm4b:s2+s3], $0x80, v3, vm0, $0xb8;
	[tilespmem:$0x18080] =	vst v63  }
0xc6: {  	_ = 	snop  }
0xc7: {  	[tilespmem:s15], [sflag:$0x1] =	stream.indirect_vreg.gather [hbm4b:s4+s3], $0x80, v3, vm0, $0xb8;
	[tilespmem:$0x18080] =	vst v63  }
0xc8: {  	_ = 	snop  }
0xc9: {  	[tilespmem:s16], [sflag:$0x1] =	stream.indirect_vreg.gather [hbm4b:s5+s3], $0x80, v3, vm0, $0xb8;
	[tilespmem:$0x18080] =	vst v63  }
0xca: {  	_ = 	snop  }
0xcb: {  	[tilespmem:s17], [sflag:$0x1] =	stream.indirect_vreg.gather [hbm4b:s6+s3], $0x80, v3, vm0, $0xb8;
	[tilespmem:$0x18080] =	vst v63  }
0xcc: {  	v3 =	vld [tilespmem:$0x70];
	_ =	sdelay $0x4  }
0xcd: {  	v63 =	vshll.u32 v3, $0x3  }
0xce: {  	v3 =	vand.u32 $0x7, v3;
	v4 =	vand.u32 $0xFFFFFFC0, v63  }
0xcf: {  	v3 =	vor.u32 v3, v4  }
0xd0: {  	v4 =	vperm.xlane v3, v0;
	_ =	sdelay $0x1  }
0xd1: {  	v4 =	vadd.s32 v1, v4;
	_ =	sdelay $0x4  }
0xd2: {  	[tilespmem:s18], [sflag:$0x1] =	stream.indirect_vreg.gather [hbm4b:s2+s3], $0x80, v4, vm0, $0xb8;
	[tilespmem:$0x18080] =	vst v63  }
0xd3: {  	v3 =	vperm.xlane v3, v2  }
0xd4: {  	[tilespmem:s19], [sflag:$0x1] =	stream.indirect_vreg.gather [hbm4b:s4+s3], $0x80, v4, vm0, $0xb8;
	[tilespmem:$0x18080] =	vst v63  }
0xd5: {  	v3 =	vadd.s32 v1, v3  }
0xd6: {  	[tilespmem:s20], [sflag:$0x1] =	stream.indirect_vreg.gather [hbm4b:s5+s3], $0x80, v4, vm0, $0xb8;
	[tilespmem:$0x18080] =	vst v63  }
0xd7: {  	_ = 	snop  }
0xd8: {  	[tilespmem:s21], [sflag:$0x1] =	stream.indirect_vreg.gather [hbm4b:s6+s3], $0x80, v4, vm0, $0xb8;
	[tilespmem:$0x18080] =	vst v63  }
0xd9: {  	_ = 	snop  }
0xda: {  	[tilespmem:s22], [sflag:$0x1] =	stream.indirect_vreg.gather [hbm4b:s2+s3], $0x80, v3, vm0, $0xb8;
	[tilespmem:$0x18080] =	vst v63  }
0xdb: {  	_ = 	snop  }
0xdc: {  	[tilespmem:s23], [sflag:$0x1] =	stream.indirect_vreg.gather [hbm4b:s4+s3], $0x80, v3, vm0, $0xb8;
	[tilespmem:$0x18080] =	vst v63  }
0xdd: {  	_ = 	snop  }
0xde: {  	[tilespmem:s24], [sflag:$0x1] =	stream.indirect_vreg.gather [hbm4b:s5+s3], $0x80, v3, vm0, $0xb8;
	[tilespmem:$0x18080] =	vst v63  }
0xdf: {  	_ = 	snop  }
0xe0: {  	[tilespmem:s25], [sflag:$0x1] =	stream.indirect_vreg.gather [hbm4b:s6+s3], $0x80, v3, vm0, $0xb8;
	[tilespmem:$0x18080] =	vst v63  }
0xe1: {  	_ =	swait.ge [sflag:s30], $0x8000  }
0xe2: {  	[sflag:s30] =	ssyncset.done $0x0  }
0xe3: {  	s10 =	rddreg [dreg:$0x6];
	[sflag:s30] =	ssyncadd.s32 $0xFFFF8000  }
0xe4: {  	[hbm4b:s10+s3] =	stream.linear.scatter [tilespmem:s26], [sflag:$0x5], $0x8000, $0x38;
	[tilespmem:$0x18080] =	vst v63  }
0xe5: {  	_ =	swait.ge [sflag:s31], $0x8000  }
0xe6: {  	[sflag:s31] =	ssyncset.done $0x0  }
0xe7: {  	s10 =	rddreg [dreg:$0x7];
	[sflag:s31] =	ssyncadd.s32 $0xFFFF8000  }
0xe8: {  	[hbm4b:s10+s3] =	stream.linear.scatter [tilespmem:s8], [sflag:$0x6], $0x8000, $0x38;
	[tilespmem:$0x18080] =	vst v63  }
0xe9: {  	_ =	swait.ge [sflag:s28], $0x8000  }
0xea: {  	[sflag:s28] =	ssyncset.done $0x0  }
0xeb: {  	s10 =	rddreg [dreg:$0x8];
	[sflag:s28] =	ssyncadd.s32 $0xFFFF8000  }
0xec: {  	[hbm4b:s10+s3] =	stream.linear.scatter [tilespmem:s9], [sflag:$0x4], $0x8000, $0x38;
	[tilespmem:$0x18080] =	vst v63  }
0xed: {  	p0 =	sne.s32 s7, $0x1;
	_ =	swait.ge [sflag:s1], $0x8000  }
.Ltmp0:
0xee: {  	[sflag:s1] =	ssyncset.done $0x0;
	(pc) =	sbr.rel @p0 .LBB2_1-.Ltmp0, $4  }
0xef: {  	[sflag:s1] =	ssyncadd.s32 $0xFFFF8000  }
0xf0: {  	_ =	swait.ge [sflag:s29], $0x8000  }
0xf1: {  	[sflag:s29] =	ssyncset.done $0x0  }
0xf2: {  	s7 =	sadd.s32 $0xFFFFFFFF, s7;
	[sflag:s29] =	ssyncadd.s32 $0xFFFF8000  }
0xf3: {  	_ =	sfence.sel $0x180000  }
0xf4: {  	[bflag:$0x0] =	sbarrier.arrive $0xFFFF  }
0xf5: {  	_ =	strace $0x90000047  }
0xf6: {  	s0 =	stileid.u32;
	[bflag:$0x2] =	sbarrier.arrive $0xFFFF  }
0xf7: {  	p0 =	sne.s32 s0, $0x0;
	s0 =	rddreg [dreg:$0x3]  }
0xf8: {  	s0 =	sadd.s32 @!p0 $0x100000, s0  }
0xf9: {  	[sflag:s0] =	ssyncadd.tile.s32 @!p0 $0x1;
	_ =	shalt  }
.Lfunc_end2:
_tile_overlayer_lowered:
.L_overlay_start_2:
0xfa: {  	(tag) =	ssettag $0x2  }
0xfb: {  	s0 =	rddreg [dreg:$0x0];
	s2 =	stileid.u32  }
0xfc: {  	s1 =	rddreg [dreg:$0x1];
	p0 =	sne.s32 s2, $0x0  }
0xfd: {  	s3 =	rddreg [dreg:$0x2];
	[bflag:$0x3] =	sbarrier.arrive $0xFFFF;
	s2 =	simm.s32 @!p0 $0x1C07  }
0xfe: {  	[timem:s3], [sflag:s2] =	dma.local @!p0 [hbm:s0], s1  }
0xff: {  	s0 =	simm.s32 @!p0 $0x7  }
0x100: {  	_ =	swait.ge @!p0 [sflag:s0], s1  }
0x101: {  	s1 =	ssub.s32 @!p0 $0x0, s1;
	[sflag:s0] =	ssyncset.done @!p0 $0x0  }
0x102: {  	[sflag:s0] =	ssyncadd.s32 @!p0 s1  }
0x103: {  	[bflag:$0x3] =	sbarrier.arrive $0xFFFF  }
0x104: {  	_ =	shalt  }

// kernel: kernel.9.cloned.1.call-start
scs
__scs_entry_jumppad:
0x0: {  	(pc) =	sbr.rel $0x88, $3  }
0x1: {  	(tag) =	ssettag $0x0;
	lr =	simm.s32 $0x1  }
0x2: {  	[smem:$0x3F9C] =	sst lr;
	_ =	strace $0xD0000000  }
0x3: {  	_ = 	snop  }
0x4: {  	_ = 	snop  }
0x5: {  	_ = 	snop  }
0x6: {  	_ = 	snop  }
0x7: {  	_ = 	snop  }
__scs_overlays_trampoline_lowered:
0x8: {  	[smem:$0x3FAB] =	sst s0  }
0x9: {  	[smem:$0x3FAC] =	sst s1  }
0xa: {  	[smem:$0x3FAD] =	sst s2  }
0xb: {  	[smem:$0x3FAE] =	sst s3  }
0xc: {  	[smem:$0x3FAF] =	sst s4  }
0xd: {  	[smem:$0x3FB0] =	sst s5  }
0xe: {  	[smem:$0x3FB1] =	sst s6  }
0xf: {  	[smem:$0x3FB2] =	sst s7  }
0x10: {  	[smem:$0x3FB3] =	sst s8  }
0x11: {  	[smem:$0x3FB4] =	sst s9;
	s0 =	simm.s32 @!p0 $0x0  }
0x12: {  	s1 =	sld [smem:$0x3F9A];
	s0 =	simm.s32 @p0 $0x1  }
0x13: {  	[smem:$0x3FB5] =	sst s0;
	s0 =	simm.s32 @!p1 $0x0  }
0x14: {  	s2 =	sld [smem:$0x3F99];
	s0 =	simm.s32 @p1 $0x1  }
0x15: {  	[smem:$0x3FB6] =	sst s0;
	s0 =	simm.s32 @!p2 $0x0  }
0x16: {  	s3 =	sld [smem:$0x3FDB];
	s0 =	simm.s32 @p2 $0x1  }
0x17: {  	s4 =	simm.s32 $0x1BF5;
	[smem:$0x3FB8] =	sst s0  }
0x18: {  	s0 =	sld [smem:$0x3F9B];
	_ =	swait.ge [sflag:s4], $0x0  }
0x19: {  	s7 =	sld [smem:$0x3F9C]  }
0x1a: {  	s8 =	sadd.s32 $0xFFFFE003, lr  }
0x1b: {  	s9 =	sadd.s32 $0xFFFFFEF7, lr;
	s5 =	simm.s32 $0xFFFFFFFF;
	p2 =	slt.u32 s8, $0xFFFFF086  }
0x1c: {  	p1 =	slt.u32 s9, $0xF7A;
	s5 =	simm.s32 @!p2 $0x0  }
0x1d: {  	s5 =	simm.s32 @p1 $0x1;
	p0 =	seq.s32 s7, s2  }
0x1e: {  	s7 =	smul.u32 @!p0 $0xF7A, s2;
	p2 =	seq.s32 @!p0 s5, $0x0  }
0x1f: {  	s9 =	smul.u32 $0xF7A, s1;
	s8 =	simm.s32 @!p0 $0x1BF5;
	p2 =	por !p2, p0  }
0x20: {  	[sflag:s8] =	ssyncset.s32 @!p0 $0xFFFFF086;
	s6 =	sadd.s32 @!p0 s3, s7;
	s7 =	simm.s32 @!p0 $0x108  }
0x21: {  	s3 =	sadd.s32 s3, s9;
	s6 =	sadd.s32 @!p0 $0x88, s6;
	s7 =	simm.s32 @p2 $0x1082  }
0x22: {  	[simem:s7], [sflag:s8] =	dma.local @!p0 [hbm:s6], $0xF7A  }
0x23: {  	s9 =	sor.u32 $0xD0000000, s2;
	s6 =	simm.s32 $0x108;
	_ =	swait.ge @!p0 [sflag:s8], $0x0  }
0x24: {  	s3 =	sadd.s32 $0x88, s3;
	s6 =	simm.s32 @!p1 $0x1082;
	[sflag:s4] =	ssyncset.s32 $0xFFFFF086  }
0x25: {  	[simem:s6], [sflag:s4] =	dma.local [hbm:s3], $0xF7A  }
0x26: {  	[smem:$0x3F9C] =	sst s1;
	(tag) =	ssettag s2;
	_ =	strace s9  }
0x27: {  	s1 =	sld [smem:$0x3FAC]  }
0x28: {  	s2 =	sld [smem:$0x3FAD]  }
0x29: {  	s4 =	sld [smem:$0x3FAF]  }
0x2a: {  	p0 =	seq.s32 s5, $0x0;
	s5 =	sld [smem:$0x3FB0]  }
0x2b: {  	s6 =	sld [smem:$0x3FB1]  }
0x2c: {  	s7 =	sld [smem:$0x3FB2]  }
0x2d: {  	s3 =	simm.s32 $0x108;
	s8 =	sld [smem:$0x3FB3]  }
0x2e: {  	s3 =	simm.s32 @!p0 $0x1082;
	s9 =	sld [smem:$0x3FB4]  }
0x2f: {  	lr =	sadd.s32 s0, s3;
	s0 =	sld [smem:$0x3FAB]  }
0x30: {  	s3 =	sld [smem:$0x3FAE]  }
0x31: {  	[smem:$0x3FB7] =	sst s10  }
0x32: {  	s10 =	sld [smem:$0x3FB5];
	_ =	sdelay $0x3  }
0x33: {  	p0 =	seq.s32 s10, $0x1;
	s10 =	sld [smem:$0x3FB7];
	_ =	sdelay $0x3  }
0x34: {  	[smem:$0x3FB7] =	sst s10  }
0x35: {  	s10 =	sld [smem:$0x3FB6];
	_ =	sdelay $0x3  }
0x36: {  	p1 =	seq.s32 s10, $0x1;
	s10 =	sld [smem:$0x3FB7];
	_ =	sdelay $0x3  }
0x37: {  	[smem:$0x3FB7] =	sst s10  }
0x38: {  	s10 =	sld [smem:$0x3FB8]  }
0x39: {  	_ = 	snop;
	(pc) =	sbr.ind lr, $3  }
0x3a: {  	_ = 	snop  }
0x3b: {  	_ = 	snop  }
0x3c: {  	p2 =	seq.s32 s10, $0x1;
	s10 =	sld [smem:$0x3FB7]  }
0x3d: {  	_ =	shalt  }
0x3e: {  	_ =	shalt  }
0x3f: {  	_ =	shalt  }
0x40: {  	_ =	shalt  }
0x41: {  	_ =	shalt  }
0x42: {  	_ =	shalt  }
0x43: {  	_ =	shalt  }
0x44: {  	_ =	shalt  }
0x45: {  	_ =	shalt  }
0x46: {  	_ =	shalt  }
0x47: {  	_ =	shalt  }
0x48: {  	_ =	shalt  }
0x49: {  	_ =	shalt  }
0x4a: {  	_ =	shalt  }
0x4b: {  	_ =	shalt  }
0x4c: {  	_ =	shalt  }
0x4d: {  	_ =	shalt  }
0x4e: {  	_ =	shalt  }
0x4f: {  	_ =	shalt  }
0x50: {  	_ =	shalt  }
0x51: {  	_ =	shalt  }
0x52: {  	_ =	shalt  }
0x53: {  	_ =	shalt  }
0x54: {  	_ =	shalt  }
0x55: {  	_ =	shalt  }
0x56: {  	_ =	shalt  }
0x57: {  	_ =	shalt  }
0x58: {  	_ =	shalt  }
0x59: {  	_ =	shalt  }
0x5a: {  	_ =	shalt  }
0x5b: {  	_ =	shalt  }
0x5c: {  	_ =	shalt  }
0x5d: {  	_ =	shalt  }
0x5e: {  	_ =	shalt  }
0x5f: {  	_ =	shalt  }
0x60: {  	_ =	shalt  }
0x61: {  	_ =	shalt  }
0x62: {  	_ =	shalt  }
0x63: {  	_ =	shalt  }
0x64: {  	_ =	shalt  }
0x65: {  	_ =	shalt  }
0x66: {  	_ =	shalt  }
0x67: {  	_ =	shalt  }
0x68: {  	_ =	shalt  }
0x69: {  	_ =	shalt  }
0x6a: {  	_ =	shalt  }
0x6b: {  	_ =	shalt  }
0x6c: {  	_ =	shalt  }
0x6d: {  	_ =	shalt  }
0x6e: {  	_ =	shalt  }
0x6f: {  	_ =	shalt  }
0x70: {  	_ =	shalt  }
0x71: {  	_ =	shalt  }
0x72: {  	_ =	shalt  }
0x73: {  	_ =	shalt  }
0x74: {  	_ =	shalt  }
0x75: {  	_ =	shalt  }
0x76: {  	_ =	shalt  }
0x77: {  	_ =	shalt  }
0x78: {  	_ =	shalt  }
0x79: {  	_ =	shalt  }
0x7a: {  	_ =	shalt  }
0x7b: {  	_ =	shalt  }
0x7c: {  	_ =	shalt  }
0x7d: {  	_ =	shalt  }
0x7e: {  	_ =	shalt  }
0x7f: {  	_ =	shalt  }
0x80: {  	_ =	shalt  }
0x81: {  	_ =	shalt  }
0x82: {  	_ =	shalt  }
0x83: {  	_ =	shalt  }
0x84: {  	_ =	shalt  }
0x85: {  	_ =	shalt  }
0x86: {  	_ =	shalt  }
0x87: {  	_ =	shalt  }
.Lfunc_end0:
.L_simem_size_0:
called_computation.1_lowered:
.L_overlay_start_0:
0x88: {  	s2 =	sld [smem:$0x3FD9]  }
0x89: {  	s3 =	sld [smem:$0x3FFE];
	_ =	sdelay $0x1  }
0x8a: {  	s1 =	srdreg.scid  }
0x8b: {  	s0 =	sand.u32 $0x1, s1  }
0x8c: {  	s17 =	sshll.u32 s0, $0xA;
	s2 =	sadd.s32 s3, s2  }
0x8d: {  	s2 =	sadd.s32 s2, s17  }
0x8e: {  	[smem:$0x3FC3] =	sst s2  }
0x8f: {  	_ = 	snop  }
0x90: {  	s18 =	sld [smem:$0x3FC8];
	(tm) =	ssettm $0x1  }
0x91: {  	s19 =	sld [smem:$0x3FFB];
	_ =	sdelay $0x3  }
0x92: {  	_ =	strace s19  }
0x93: {  	s2 =	sld [smem:$0x3FFC];
	_ =	sdelay $0x3  }
0x94: {  	_ =	strace s2  }
0x95: {  	s2 =	sld [smem:$0x3FFD];
	_ =	sdelay $0x3  }
0x96: {  	_ =	strace s2  }
0x97: {  	_ =	strace $0x8FFFFFFF  }
0x98: {  	s20 =	sld [smem:$0x3FDB];
	_ =	sdelay $0x1  }
0x99: {  	s4 =	simm.s32 $_scs_section_size  }
0x9a: {  	s5 =	simm.s32 $_size__tile_overlayer_lowered;
	s6 =	simm.s32 $_tile_overlayer_lowered  }
0x9b: {  	s7 =	simm.s32 $0x1BFF;
	s21 =	sshll.u32 s6, $0x1;
	s4 =	sadd.s32 s4, s20  }
0x9c: {  	s22 =	simm.s32 $0x0;
	s5 =	sshll.u32 s5, $0x1;
	s6 =	sadd.s32 s21, s4  }
0x9d: {  	[timem:s22], [sflag:s7] =	dma.local [hbm:s6], s5  }
0x9e: {  	_ =	swait.ge [sflag:s7], s5  }
0x9f: {  	s5 =	ssub.s32 $0x0, s5;
	[sflag:s7] =	ssyncset.done $0x0  }
0xa0: {  	[sflag:s7] =	ssyncadd.s32 s5;
	_ =	sdelay $0x1  }
0xa1: {  	s23 =	simm.s32 $0x1B8B  }
0xa2: {  	_ =	swait.ge [sflag:s23], $0x1  }
0xa3: {  	[sflag:s23] =	ssyncset.done $0x0  }
0xa4: {  	[sflag:s23] =	ssyncadd.s32 $0xFFFFFFFF  }
0xa5: {  	s5 =	sld [smem:$0x0]  }
0xa6: {  	s6 =	sand.u32 $0xFFFFFFFE, s1  }
0xa7: {  	p0 =	sne.s32 s1, s6  }
0xa8: {  	s6 =	sshll.u32 @p0 s6, $0xE  }
0xa9: {  	s6 =	sadd.s32 @p0 $0x11B8D, s6;
	s7 =	sshll.u32 @p0 s5, $0x11  }
0xaa: {  	s6 =	sor.u32 @p0 s7, s6  }
0xab: {  	[sflag:s6] =	ssyncadd.remote.s32 @p0 $0x1;
	_ =	sdelay $0x1  }
0xac: {  	s6 =	simm.s32 @p0 $0x1B8D  }
0xad: {  	_ =	swait.eq @p0 [sflag:s6], $0x1  }
0xae: {  	[sflag:s6] =	ssyncadd.s32 @p0 $0xFFFFFFFF  }
0xaf: {  	s7 =	sshll.u32 @!p0 s1, $0xE  }
0xb0: {  	s7 =	sor.u32 @!p0 $0x4000, s7;
	s6 =	simm.s32 @!p0 $0x1B8D  }
0xb1: {  	s5 =	sshll.u32 @!p0 s5, $0x11;
	s7 =	sadd.s32 @!p0 $0x11B8D, s7;
	_ =	swait.eq @!p0 [sflag:s6], $0x1  }
0xb2: {  	s5 =	sor.u32 @!p0 s5, s7;
	[sflag:s6] =	ssyncadd.s32 @!p0 $0xFFFFFFFF  }
0xb3: {  	s25 =	simm.s32 $0x1B8E;
	s24 =	sld [smem:$0x3FFE];
	[sflag:s5] =	ssyncadd.remote.s32 @!p0 $0x1  }
0xb4: {  	s26 =	simm.s32 $execute0_lowered;
	[smem:$0x3FD2] =	sst s25  }
0xb5: {  	s6 =	sshll.u32 s26, $0x1;
	_ =	strace $0x80000049;
	[dreg:$0x1] =	wrdreg $0xFFFFFFFF  }
0xb6: {  	s28 =	simm.s32 $_size_execute0_lowered;
	s4 =	sadd.s32 s4, s6;
	[dreg:$0x0] =	wrdreg $0x0  }
0xb7: {  	s6 =	sshll.u32 s28, $0x1;
	[dreg:$0x2] =	wrdreg s4  }
0xb8: {  	[dreg:$0x3] =	wrdreg s6  }
0xb9: {  	[dreg:$0x4] =	wrdreg $0xC0  }
0xba: {  	_ =	task [dreg:s22], $0x5FFFF  }
0xbb: {  	[dreg:$0x1] =	wrdreg $0xFFFFFFFF  }
0xbc: {  	[dreg:$0x0] =	wrdreg $0x60  }
0xbd: {  	[dreg:$0x2] =	wrdreg s24  }
0xbe: {  	[dreg:$0x3] =	wrdreg s18  }
0xbf: {  	[dreg:$0x4] =	wrdreg $0xA  }
0xc0: {  	_ =	task.clear_ibuf [dreg:s22], $0x5FFFF;
	_ =	strace $0x90000049  }
0xc1: {  	s29 =	simm.s32 $0xA;
	_ =	strace $0x8000004B  }
0xc2: {  	_ =	swait.ge [sflag:s29], $0x1  }
0xc3: {  	[sflag:s29] =	ssyncadd.s32 $0xFFFFFFFF  }
0xc4: {  	_ =	strace $0x9000004B  }
0xc5: {  	_ =	sfence  }
0xc6: {  	s30 =	sld [smem:$0x0];
	_ =	sdelay $0x2  }
0xc7: {  	s31 =	sshll.u32 s1, $0xD;
	s1 =	sshrl.u32 s1, $0x2  }
0xc8: {  	s4 =	sand.u32 $0x4000, s31;
	s1 =	sadd.s32 s1, s30  }
0xc9: {  	s0 =	sor.u32 s4, s0;
	s1 =	sshll.u32 s1, $0x11  }
0xca: {  	s0 =	sor.u32 s1, s0  }
0xcb: {  	s0 =	sadd.s32 $0x8F2B, s0  }
0xcc: {  	[sflag:s0] =	ssyncadd.remote.s32 $0x1  }
0xcd: {  	_ =	sfence.sel $0xFFFF  }
0xce: {  	[dreg:$0x0] =	wrdreg $0xFFFFFFFF;
	(pc) =	sbr.abs _section_cstart, $3  }
0xcf: {  	[dreg:$0x1] =	wrdreg $0xFFFFFFFF  }
0xd0: {  	_ =	task.clear_ibuf [dreg:s22], $0x2FFFF;
	_ =	strace $0x9FFFFFFF  }
0xd1: {  	(tm) =	ssettm $0x7FFFFFFF  }
tec
execute0_lowered:
.L_overlay_start_1:
0x0: {  	(tag) =	ssettag $0x1  }
0x1: {  	s1 =	srdreg.scid  }
0x2: {  	s0 =	stileid.u32;
	s1 =	sand.u32 $0x1, s1  }
0x3: {  	s4 =	rddreg [dreg:$0x0];
	s3 =	sshll.u32 s0, $0x8;
	s5 =	sshll.u32 s1, $0x7  }
0x4: {  	s2 =	rddreg [dreg:$0x1];
	s5 =	sor.u32 s5, s3;
	s3 =	simm.s32 $0x0  }
0x5: {  	s21 =	simm.s32 $0x8880;
	[smem:$0x7FF] =	sst s3  }
0x6: {  	s22 =	simm.s32 $0x9080;
	_ =	strace $0x8000004A;
	[dreg:$0x8] =	wrdreg s21  }
0x7: {  	s23 =	simm.s32 $0x9880;
	[dreg:$0x9] =	wrdreg s22  }
0x8: {  	s24 =	simm.s32 $0xA080;
	[dreg:$0xa] =	wrdreg s23  }
0x9: {  	s25 =	simm.s32 $0xA880;
	[dreg:$0xb] =	wrdreg s24  }
0xa: {  	s26 =	simm.s32 $0xB080;
	[dreg:$0xc] =	wrdreg s25  }
0xb: {  	s7 =	simm.s32 $0xC880;
	s0 =	simm.s32 $0xB880;
	[dreg:$0xd] =	wrdreg s26  }
0xc: {  	s8 =	simm.s32 $0xD080;
	s9 =	simm.s32 $0xD880;
	[dreg:$0xe] =	wrdreg s0  }
0xd: {  	s10 =	simm.s32 $0xF080;
	s11 =	simm.s32 $0xF880;
	[dreg:$0x10] =	wrdreg s7  }
0xe: {  	s12 =	simm.s32 $0x10880;
	s13 =	simm.s32 $0x11080;
	[dreg:$0x11] =	wrdreg s8  }
0xf: {  	s14 =	simm.s32 $0x11880;
	s15 =	simm.s32 $0x12080;
	[dreg:$0x12] =	wrdreg s9  }
0x10: {  	s16 =	simm.s32 $0x12880;
	s28 =	simm.s32 $0x1;
	[dreg:$0x15] =	wrdreg s10  }
0x11: {  	s29 =	simm.s32 $0x4;
	s30 =	simm.s32 $0x2;
	[dreg:$0x16] =	wrdreg s11  }
0x12: {  	s31 =	simm.s32 $0x3;
	s1 =	ssub.s32 $0x2, s1;
	[dreg:$0x17] =	wrdreg s12  }
0x13: {  	s6 =	sshrl.u32 s5, $0x3;
	s5 =	sshll.u32 s5, $0x7;
	[dreg:$0x18] =	wrdreg s13  }
0x14: {  	s6 =	sadd.s32 s6, s4;
	s4 =	sadd.s32 s5, s4;
	[dreg:$0x19] =	wrdreg s14  }
0x15: {  	s5 =	simm.s32 $0xC080;
	s7 =	simm.s32 $0xE080;
	[dreg:$0x1a] =	wrdreg s15  }
0x16: {  	s8 =	simm.s32 $0xE880;
	s9 =	simm.s32 $0x80;
	[dreg:$0x1b] =	wrdreg s16  }
0x17: {  	s21 =	simm.s32 $0x15080;
	s22 =	simm.s32 $0x15880;
	[dreg:$0xf] =	wrdreg s5  }
0x18: {  	s23 =	simm.s32 $0x16080;
	s24 =	simm.s32 $0x16880;
	[dreg:$0x13] =	wrdreg s7  }
0x19: {  	s25 =	simm.s32 $0x17080;
	s26 =	simm.s32 $0x17880;
	[dreg:$0x14] =	wrdreg s8  }
0x1a: {  	s11 =	simm.s32 $0x880;
	s12 =	simm.s32 $0x1080;
	[smem:$0x7F8] =	sst s21  }
0x1b: {  	s13 =	simm.s32 $0x1880;
	s14 =	simm.s32 $0x2080;
	[smem:$0x7F9] =	sst s22  }
0x1c: {  	s15 =	simm.s32 $0x2880;
	s16 =	simm.s32 $0x3080;
	[smem:$0x7FA] =	sst s23  }
0x1d: {  	s17 =	sadd.s32 $0x1200, s6;
	s18 =	sadd.s32 $0x81400, s4;
	[smem:$0x7FB] =	sst s24  }
0x1e: {  	s19 =	sadd.s32 $0x82400, s4;
	s20 =	sadd.s32 $0x83400, s4;
	[smem:$0x7FC] =	sst s25  }
0x1f: {  	s4 =	sadd.s32 $0x84400, s4;
	s6 =	sshrl.u32 s1, $0x1;
	[smem:$0x7FD] =	sst s26  }
0x20: {  	s5 =	sadd.s32 $0x200, s2;
	s21 =	simm.s32 $0x5880;
	[dreg:$0x3] =	wrdreg s17  }
0x21: {  	s22 =	simm.s32 $0x6080;
	s23 =	simm.s32 $0x6880;
	[dreg:$0x4] =	wrdreg s18  }
0x22: {  	s24 =	simm.s32 $0x7080;
	s25 =	simm.s32 $0x7880;
	[dreg:$0x5] =	wrdreg s19  }
0x23: {  	s26 =	simm.s32 $0x8080;
	s8 =	simm.s32 $0x10080;
	[dreg:$0x6] =	wrdreg s20  }
0x24: {  	[dreg:$0x7] =	wrdreg s4;
	s1 =	ssub.s32 s1, s6;
	s17 =	simm.s32 $0x13080  }
0x25: {  	s4 =	sadd.s32 $0x100, s2;
	s18 =	simm.s32 $0x13880;
	[dreg:$0x1c] =	wrdreg s17  }
0x26: {  	s6 =	sadd.s32 $0x300, s2;
	s19 =	simm.s32 $0x14080;
	[dreg:$0x1d] =	wrdreg s18  }
0x27: {  	v2 =	vlaneseq.u32;
	s20 =	simm.s32 $0x14880;
	s7 =	smax.u32 s1, $0x1;
	[dreg:$0x1e] =	wrdreg s19  }
0x28: {  	vm0 =	vmmov $0xffff;
	v1 =	vshrl.u32 v2, $0x3;
	[dreg:$0x1f] =	wrdreg s20;
	s1 =	simm.s32 $0x6;
	s17 =	simm.s32 $0x3880  }
0x29: {  	v0 =	vand.u32 $0x7, v2;
	v2 =	vor.u32 $0x8, v2;
	v1 =	vmul.u32 $0x8, v1;
	s18 =	simm.s32 $0x4080;
	s19 =	simm.s32 $0x4880;
	s20 =	simm.s32 $0x5080  }
.LBB2_1:
0x2a: {  	s0 =	rddreg [dreg:$0x3];
	s10 =	simm.s32 $0x7  }
0x2b: {  	[tilespmem:s3], [sflag:$0x7] =	stream.linear.gather [hbm4b:s0+s3], $0x80, $0x38;
	[tilespmem:$0x18080] =	vst v63  }
0x2c: {  	_ =	swait.ge [sflag:s10], $0x80  }
0x2d: {  	[sflag:s10] =	ssyncset.done $0x0  }
0x2e: {  	[sflag:s10] =	ssyncadd.s32 $0xFFFFFF80  }
0x2f: {  	v3 =	vld [tilespmem:$0x0];
	_ =	sdelay $0x4  }
0x30: {  	v4 =	vshll.u32 v3, $0x3  }
0x31: {  	v3 =	vand.u32 $0x7, v3;
	v4 =	vand.u32 $0xFFFFFFC0, v4  }
0x32: {  	v3 =	vor.u32 v3, v4  }
0x33: {  	v4 =	vperm.xlane v3, v0;
	_ =	sdelay $0x1  }
0x34: {  	v4 =	vadd.s32 v1, v4;
	_ =	sdelay $0x4  }
0x35: {  	[tilespmem:s9], [sflag:$0x1] =	stream.indirect_vreg.gather [hbm4b:s2+s3], $0x80, v4, vm0, $0xb8;
	[tilespmem:$0x18080] =	vst v63  }
0x36: {  	v3 =	vperm.xlane v3, v2  }
0x37: {  	[tilespmem:s11], [sflag:$0x1] =	stream.indirect_vreg.gather [hbm4b:s4+s3], $0x80, v4, vm0, $0xb8;
	[tilespmem:$0x18080] =	vst v63  }
0x38: {  	v3 =	vadd.s32 v1, v3  }
0x39: {  	[tilespmem:s12], [sflag:$0x1] =	stream.indirect_vreg.gather [hbm4b:s5+s3], $0x80, v4, vm0, $0xb8;
	[tilespmem:$0x18080] =	vst v63  }
0x3a: {  	_ = 	snop  }
0x3b: {  	[tilespmem:s13], [sflag:$0x1] =	stream.indirect_vreg.gather [hbm4b:s6+s3], $0x80, v4, vm0, $0xb8;
	[tilespmem:$0x18080] =	vst v63  }
0x3c: {  	_ = 	snop  }
0x3d: {  	[tilespmem:s14], [sflag:$0x1] =	stream.indirect_vreg.gather [hbm4b:s2+s3], $0x80, v3, vm0, $0xb8;
	[tilespmem:$0x18080] =	vst v63  }
0x3e: {  	_ = 	snop  }
0x3f: {  	[tilespmem:s15], [sflag:$0x1] =	stream.indirect_vreg.gather [hbm4b:s4+s3], $0x80, v3, vm0, $0xb8;
	[tilespmem:$0x18080] =	vst v63  }
0x40: {  	_ = 	snop  }
0x41: {  	[tilespmem:s16], [sflag:$0x1] =	stream.indirect_vreg.gather [hbm4b:s5+s3], $0x80, v3, vm0, $0xb8;
	[tilespmem:$0x18080] =	vst v63  }
0x42: {  	_ = 	snop  }
0x43: {  	[tilespmem:s17], [sflag:$0x1] =	stream.indirect_vreg.gather [hbm4b:s6+s3], $0x80, v3, vm0, $0xb8;
	[tilespmem:$0x18080] =	vst v63  }
0x44: {  	v3 =	vld [tilespmem:$0x10];
	_ =	sdelay $0x4  }
0x45: {  	v57 =	vshll.u32 v3, $0x3  }
0x46: {  	v3 =	vand.u32 $0x7, v3;
	v4 =	vand.u32 $0xFFFFFFC0, v57  }
0x47: {  	v3 =	vor.u32 v3, v4  }
0x48: {  	v4 =	vperm.xlane v3, v0;
	_ =	sdelay $0x1  }
0x49: {  	v4 =	vadd.s32 v1, v4;
	_ =	sdelay $0x4  }
0x4a: {  	[tilespmem:s18], [sflag:$0x1] =	stream.indirect_vreg.gather [hbm4b:s2+s3], $0x80, v4, vm0, $0xb8;
	[tilespmem:$0x18080] =	vst v63  }
0x4b: {  	v3 =	vperm.xlane v3, v2  }
0x4c: {  	[tilespmem:s19], [sflag:$0x1] =	stream.indirect_vreg.gather [hbm4b:s4+s3], $0x80, v4, vm0, $0xb8;
	[tilespmem:$0x18080] =	vst v63  }
0x4d: {  	v3 =	vadd.s32 v1, v3  }
0x4e: {  	[tilespmem:s20], [sflag:$0x1] =	stream.indirect_vreg.gather [hbm4b:s5+s3], $0x80, v4, vm0, $0xb8;
	[tilespmem:$0x18080] =	vst v63  }
0x4f: {  	_ = 	snop  }
0x50: {  	[tilespmem:s21], [sflag:$0x1] =	stream.indirect_vreg.gather [hbm4b:s6+s3], $0x80, v4, vm0, $0xb8;
	[tilespmem:$0x18080] =	vst v63  }
0x51: {  	_ = 	snop  }
0x52: {  	[tilespmem:s22], [sflag:$0x1] =	stream.indirect_vreg.gather [hbm4b:s2+s3], $0x80, v3, vm0, $0xb8;
	[tilespmem:$0x18080] =	vst v63  }
0x53: {  	_ = 	snop  }
0x54: {  	[tilespmem:s23], [sflag:$0x1] =	stream.indirect_vreg.gather [hbm4b:s4+s3], $0x80, v3, vm0, $0xb8;
	[tilespmem:$0x18080] =	vst v63  }
0x55: {  	_ = 	snop  }
0x56: {  	[tilespmem:s24], [sflag:$0x1] =	stream.indirect_vreg.gather [hbm4b:s5+s3], $0x80, v3, vm0, $0xb8;
	[tilespmem:$0x18080] =	vst v63  }
0x57: {  	_ = 	snop  }
0x58: {  	[tilespmem:s25], [sflag:$0x1] =	stream.indirect_vreg.gather [hbm4b:s6+s3], $0x80, v3, vm0, $0xb8;
	[tilespmem:$0x18080] =	vst v63  }
0x59: {  	v3 =	vld [tilespmem:$0x20];
	_ =	sdelay $0x4  }
0x5a: {  	v58 =	vshll.u32 v3, $0x3  }
0x5b: {  	v3 =	vand.u32 $0x7, v3;
	v4 =	vand.u32 $0xFFFFFFC0, v58  }
0x5c: {  	v3 =	vor.u32 v3, v4  }
0x5d: {  	v4 =	vperm.xlane v3, v0;
	_ =	sdelay $0x1  }
0x5e: {  	v4 =	vadd.s32 v1, v4;
	_ =	sdelay $0x4  }
0x5f: {  	[tilespmem:s26], [sflag:$0x2] =	stream.indirect_vreg.gather [hbm4b:s2+s3], $0x80, v4, vm0, $0xb8;
	[tilespmem:$0x18080] =	vst v63  }
0x60: {  	s0 =	rddreg [dreg:$0x8];
	v3 =	vperm.xlane v3, v2  }
0x61: {  	[tilespmem:s0], [sflag:$0x2] =	stream.indirect_vreg.gather [hbm4b:s4+s3], $0x80, v4, vm0, $0xb8;
	[tilespmem:$0x18080] =	vst v63  }
0x62: {  	s10 =	rddreg [dreg:$0x9];
	v3 =	vadd.s32 v1, v3  }
0x63: {  	[tilespmem:s10], [sflag:$0x2] =	stream.indirect_vreg.gather [hbm4b:s5+s3], $0x80, v4, vm0, $0xb8;
	[tilespmem:$0x18080] =	vst v63  }
0x64: {  	s0 =	rddreg [dreg:$0xa]  }
0x65: {  	[tilespmem:s0], [sflag:$0x2] =	stream.indirect_vreg.gather [hbm4b:s6+s3], $0x80, v4, vm0, $0xb8;
	[tilespmem:$0x18080] =	vst v63  }
0x66: {  	s10 =	rddreg [dreg:$0xb]  }
0x67: {  	[tilespmem:s10], [sflag:$0x2] =	stream.indirect_vreg.gather [hbm4b:s2+s3], $0x80, v3, vm0, $0xb8;
	[tilespmem:$0x18080] =	vst v63  }
0x68: {  	s0 =	rddreg [dreg:$0xc]  }
0x69: {  	[tilespmem:s0], [sflag:$0x2] =	stream.indirect_vreg.gather [hbm4b:s4+s3], $0x80, v3, vm0, $0xb8;
	[tilespmem:$0x18080] =	vst v63  }
0x6a: {  	s10 =	rddreg [dreg:$0xd]  }
0x6b: {  	[tilespmem:s10], [sflag:$0x2] =	stream.indirect_vreg.gather [hbm4b:s5+s3], $0x80, v3, vm0, $0xb8;
	[tilespmem:$0x18080] =	vst v63  }
0x6c: {  	s0 =	rddreg [dreg:$0xe]  }
0x6d: {  	[tilespmem:s0], [sflag:$0x2] =	stream.indirect_vreg.gather [hbm4b:s6+s3], $0x80, v3, vm0, $0xb8;
	[tilespmem:$0x18080] =	vst v63  }
0x6e: {  	v3 =	vld [tilespmem:$0x30];
	_ =	sdelay $0x4  }
0x6f: {  	v59 =	vshll.u32 v3, $0x3  }
0x70: {  	v3 =	vand.u32 $0x7, v3;
	v4 =	vand.u32 $0xFFFFFFC0, v59  }
0x71: {  	v3 =	vor.u32 v3, v4  }
0x72: {  	v4 =	vperm.xlane v3, v0;
	_ =	sdelay $0x1  }
0x73: {  	v4 =	vadd.s32 v1, v4;
	_ =	sdelay $0x3  }
0x74: {  	s0 =	rddreg [dreg:$0xf]  }
0x75: {  	[tilespmem:s0], [sflag:$0x2] =	stream.indirect_vreg.gather [hbm4b:s2+s3], $0x80, v4, vm0, $0xb8;
	[tilespmem:$0x18080] =	vst v63  }
0x76: {  	s10 =	rddreg [dreg:$0x10];
	v3 =	vperm.xlane v3, v2  }
0x77: {  	[tilespmem:s10], [sflag:$0x2] =	stream.indirect_vreg.gather [hbm4b:s4+s3], $0x80, v4, vm0, $0xb8;
	[tilespmem:$0x18080] =	vst v63  }
0x78: {  	v3 =	vadd.s32 v1, v3;
	s0 =	rddreg [dreg:$0x11]  }
0x79: {  	[tilespmem:s0], [sflag:$0x2] =	stream.indirect_vreg.gather [hbm4b:s5+s3], $0x80, v4, vm0, $0xb8;
	[tilespmem:$0x18080] =	vst v63  }
0x7a: {  	s10 =	rddreg [dreg:$0x12]  }
0x7b: {  	[tilespmem:s10], [sflag:$0x2] =	stream.indirect_vreg.gather [hbm4b:s6+s3], $0x80, v4, vm0, $0xb8;
	[tilespmem:$0x18080] =	vst v63  }
0x7c: {  	s0 =	rddreg [dreg:$0x13]  }
0x7d: {  	[tilespmem:s0], [sflag:$0x2] =	stream.indirect_vreg.gather [hbm4b:s2+s3], $0x80, v3, vm0, $0xb8;
	[tilespmem:$0x18080] =	vst v63  }
0x7e: {  	s10 =	rddreg [dreg:$0x14]  }
0x7f: {  	[tilespmem:s10], [sflag:$0x2] =	stream.indirect_vreg.gather [hbm4b:s4+s3], $0x80, v3, vm0, $0xb8;
	[tilespmem:$0x18080] =	vst v63  }
0x80: {  	s0 =	rddreg [dreg:$0x15]  }
0x81: {  	[tilespmem:s0], [sflag:$0x2] =	stream.indirect_vreg.gather [hbm4b:s5+s3], $0x80, v3, vm0, $0xb8;
	[tilespmem:$0x18080] =	vst v63  }
0x82: {  	s10 =	rddreg [dreg:$0x16]  }
0x83: {  	[tilespmem:s10], [sflag:$0x2] =	stream.indirect_vreg.gather [hbm4b:s6+s3], $0x80, v3, vm0, $0xb8;
	[tilespmem:$0x18080] =	vst v63  }
0x84: {  	v3 =	vld [tilespmem:$0x40];
	_ =	sdelay $0x4  }
0x85: {  	v60 =	vshll.u32 v3, $0x3  }
0x86: {  	v3 =	vand.u32 $0x7, v3;
	v4 =	vand.u32 $0xFFFFFFC0, v60  }
0x87: {  	v3 =	vor.u32 v3, v4  }
0x88: {  	v4 =	vperm.xlane v3, v0;
	_ =	sdelay $0x1  }
0x89: {  	v4 =	vadd.s32 v1, v4;
	_ =	sdelay $0x4  }
0x8a: {  	[tilespmem:s8], [sflag:$0x3] =	stream.indirect_vreg.gather [hbm4b:s2+s3], $0x80, v4, vm0, $0xb8;
	[tilespmem:$0x18080] =	vst v63  }
0x8b: {  	s0 =	rddreg [dreg:$0x17];
	v3 =	vperm.xlane v3, v2  }
0x8c: {  	[tilespmem:s0], [sflag:$0x3] =	stream.indirect_vreg.gather [hbm4b:s4+s3], $0x80, v4, vm0, $0xb8;
	[tilespmem:$0x18080] =	vst v63  }
0x8d: {  	s10 =	rddreg [dreg:$0x18];
	v3 =	vadd.s32 v1, v3  }
0x8e: {  	[tilespmem:s10], [sflag:$0x3] =	stream.indirect_vreg.gather [hbm4b:s5+s3], $0x80, v4, vm0, $0xb8;
	[tilespmem:$0x18080] =	vst v63  }
0x8f: {  	s0 =	rddreg [dreg:$0x19]  }
0x90: {  	[tilespmem:s0], [sflag:$0x3] =	stream.indirect_vreg.gather [hbm4b:s6+s3], $0x80, v4, vm0, $0xb8;
	[tilespmem:$0x18080] =	vst v63  }
0x91: {  	s10 =	rddreg [dreg:$0x1a]  }
0x92: {  	[tilespmem:s10], [sflag:$0x3] =	stream.indirect_vreg.gather [hbm4b:s2+s3], $0x80, v3, vm0, $0xb8;
	[tilespmem:$0x18080] =	vst v63  }
0x93: {  	s0 =	rddreg [dreg:$0x1b]  }
0x94: {  	[tilespmem:s0], [sflag:$0x3] =	stream.indirect_vreg.gather [hbm4b:s4+s3], $0x80, v3, vm0, $0xb8;
	[tilespmem:$0x18080] =	vst v63  }
0x95: {  	s10 =	rddreg [dreg:$0x1c]  }
0x96: {  	[tilespmem:s10], [sflag:$0x3] =	stream.indirect_vreg.gather [hbm4b:s5+s3], $0x80, v3, vm0, $0xb8;
	[tilespmem:$0x18080] =	vst v63  }
0x97: {  	s0 =	rddreg [dreg:$0x1d]  }
0x98: {  	[tilespmem:s0], [sflag:$0x3] =	stream.indirect_vreg.gather [hbm4b:s6+s3], $0x80, v3, vm0, $0xb8;
	[tilespmem:$0x18080] =	vst v63  }
0x99: {  	v3 =	vld [tilespmem:$0x50];
	_ =	sdelay $0x4  }
0x9a: {  	v61 =	vshll.u32 v3, $0x3  }
0x9b: {  	v3 =	vand.u32 $0x7, v3;
	v4 =	vand.u32 $0xFFFFFFC0, v61  }
0x9c: {  	v3 =	vor.u32 v3, v4  }
0x9d: {  	v4 =	vperm.xlane v3, v0;
	_ =	sdelay $0x1  }
0x9e: {  	v4 =	vadd.s32 v1, v4;
	_ =	sdelay $0x2  }
0x9f: {  	s10 =	rddreg [dreg:$0x1f]  }
0xa0: {  	s0 =	rddreg [dreg:$0x1e]  }
0xa1: {  	[tilespmem:s0], [sflag:$0x3] =	stream.indirect_vreg.gather [hbm4b:s2+s3], $0x80, v4, vm0, $0xb8;
	[tilespmem:$0x18080] =	vst v63  }
0xa2: {  	v3 =	vperm.xlane v3, v2;
	s0 =	sld [smem:$0x7F8]  }
0xa3: {  	[tilespmem:s10], [sflag:$0x3] =	stream.indirect_vreg.gather [hbm4b:s4+s3], $0x80, v4, vm0, $0xb8;
	[tilespmem:$0x18080] =	vst v63  }
0xa4: {  	v3 =	vadd.s32 v1, v3;
	s10 =	sld [smem:$0x7F9]  }
0xa5: {  	[tilespmem:s0], [sflag:$0x3] =	stream.indirect_vreg.gather [hbm4b:s5+s3], $0x80, v4, vm0, $0xb8;
	[tilespmem:$0x18080] =	vst v63  }
0xa6: {  	s0 =	sld [smem:$0x7FA]  }
0xa7: {  	[tilespmem:s10], [sflag:$0x3] =	stream.indirect_vreg.gather [hbm4b:s6+s3], $0x80, v4, vm0, $0xb8;
	[tilespmem:$0x18080] =	vst v63  }
0xa8: {  	s10 =	sld [smem:$0x7FB]  }
0xa9: {  	[tilespmem:s0], [sflag:$0x3] =	stream.indirect_vreg.gather [hbm4b:s2+s3], $0x80, v3, vm0, $0xb8;
	[tilespmem:$0x18080] =	vst v63  }
0xaa: {  	s0 =	sld [smem:$0x7FC]  }
0xab: {  	[tilespmem:s10], [sflag:$0x3] =	stream.indirect_vreg.gather [hbm4b:s4+s3], $0x80, v3, vm0, $0xb8;
	[tilespmem:$0x18080] =	vst v63  }
0xac: {  	s10 =	sld [smem:$0x7FD]  }
0xad: {  	[tilespmem:s0], [sflag:$0x3] =	stream.indirect_vreg.gather [hbm4b:s5+s3], $0x80, v3, vm0, $0xb8;
	[tilespmem:$0x18080] =	vst v63  }
0xae: {  	_ = 	snop  }
0xaf: {  	[tilespmem:s10], [sflag:$0x3] =	stream.indirect_vreg.gather [hbm4b:s6+s3], $0x80, v3, vm0, $0xb8;
	[tilespmem:$0x18080] =	vst v63  }
0xb0: {  	_ =	swait.ge [sflag:s28], $0x8000  }
0xb1: {  	[sflag:s28] =	ssyncset.done $0x0  }
0xb2: {  	s10 =	rddreg [dreg:$0x4];
	[sflag:s28] =	ssyncadd.s32 $0xFFFF8000  }
0xb3: {  	[hbm4b:s10+s3] =	stream.linear.scatter [tilespmem:s9], [sflag:$0x4], $0x8000, $0x38;
	[tilespmem:$0x18080] =	vst v63  }
0xb4: {  	_ =	swait.ge [sflag:s29], $0x8000  }
0xb5: {  	[sflag:s29] =	ssyncset.done $0x0  }
0xb6: {  	[sflag:s29] =	ssyncadd.s32 $0xFFFF8000  }
0xb7: {  	v3 =	vld [tilespmem:$0x60];
	_ =	sdelay $0x4  }
0xb8: {  	v62 =	vshll.u32 v3, $0x3  }
0xb9: {  	v3 =	vand.u32 $0x7, v3;
	v4 =	vand.u32 $0xFFFFFFC0, v62  }
0xba: {  	v3 =	vor.u32 v3, v4  }
0xbb: {  	v4 =	vperm.xlane v3, v0;
	_ =	sdelay $0x1  }
0xbc: {  	v4 =	vadd.s32 v1, v4;
	_ =	sdelay $0x4  }
0xbd: {  	[tilespmem:s9], [sflag:$0x1] =	stream.indirect_vreg.gather [hbm4b:s2+s3], $0x80, v4, vm0, $0xb8;
	[tilespmem:$0x18080] =	vst v63  }
0xbe: {  	v3 =	vperm.xlane v3, v2  }
0xbf: {  	[tilespmem:s11], [sflag:$0x1] =	stream.indirect_vreg.gather [hbm4b:s4+s3], $0x80, v4, vm0, $0xb8;
	[tilespmem:$0x18080] =	vst v63  }
0xc0: {  	v3 =	vadd.s32 v1, v3  }
0xc1: {  	[tilespmem:s12], [sflag:$0x1] =	stream.indirect_vreg.gather [hbm4b:s5+s3], $0x80, v4, vm0, $0xb8;
	[tilespmem:$0x18080] =	vst v63  }
0xc2: {  	_ = 	snop  }
0xc3: {  	[tilespmem:s13], [sflag:$0x1] =	stream.indirect_vreg.gather [hbm4b:s6+s3], $0x80, v4, vm0, $0xb8;
	[tilespmem:$0x18080] =	vst v63  }
0xc4: {  	_ = 	snop  }
0xc5: {  	[tilespmem:s14], [sflag:$0x1] =	stream.indirect_vreg.gather [hbm4b:s2+s3], $0x80, v3, vm0, $0xb8;
	[tilespmem:$0x18080] =	vst v63  }
0xc6: {  	_ = 	snop  }
0xc7: {  	[tilespmem:s15], [sflag:$0x1] =	stream.indirect_vreg.gather [hbm4b:s4+s3], $0x80, v3, vm0, $0xb8;
	[tilespmem:$0x18080] =	vst v63  }
0xc8: {  	_ = 	snop  }
0xc9: {  	[tilespmem:s16], [sflag:$0x1] =	stream.indirect_vreg.gather [hbm4b:s5+s3], $0x80, v3, vm0, $0xb8;
	[tilespmem:$0x18080] =	vst v63  }
0xca: {  	_ = 	snop  }
0xcb: {  	[tilespmem:s17], [sflag:$0x1] =	stream.indirect_vreg.gather [hbm4b:s6+s3], $0x80, v3, vm0, $0xb8;
	[tilespmem:$0x18080] =	vst v63  }
0xcc: {  	v3 =	vld [tilespmem:$0x70];
	_ =	sdelay $0x4  }
0xcd: {  	v63 =	vshll.u32 v3, $0x3  }
0xce: {  	v3 =	vand.u32 $0x7, v3;
	v4 =	vand.u32 $0xFFFFFFC0, v63  }
0xcf: {  	v3 =	vor.u32 v3, v4  }
0xd0: {  	v4 =	vperm.xlane v3, v0;
	_ =	sdelay $0x1  }
0xd1: {  	v4 =	vadd.s32 v1, v4;
	_ =	sdelay $0x4  }
0xd2: {  	[tilespmem:s18], [sflag:$0x1] =	stream.indirect_vreg.gather [hbm4b:s2+s3], $0x80, v4, vm0, $0xb8;
	[tilespmem:$0x18080] =	vst v63  }
0xd3: {  	v3 =	vperm.xlane v3, v2  }
0xd4: {  	[tilespmem:s19], [sflag:$0x1] =	stream.indirect_vreg.gather [hbm4b:s4+s3], $0x80, v4, vm0, $0xb8;
	[tilespmem:$0x18080] =	vst v63  }
0xd5: {  	v3 =	vadd.s32 v1, v3  }
0xd6: {  	[tilespmem:s20], [sflag:$0x1] =	stream.indirect_vreg.gather [hbm4b:s5+s3], $0x80, v4, vm0, $0xb8;
	[tilespmem:$0x18080] =	vst v63  }
0xd7: {  	_ = 	snop  }
0xd8: {  	[tilespmem:s21], [sflag:$0x1] =	stream.indirect_vreg.gather [hbm4b:s6+s3], $0x80, v4, vm0, $0xb8;
	[tilespmem:$0x18080] =	vst v63  }
0xd9: {  	_ = 	snop  }
0xda: {  	[tilespmem:s22], [sflag:$0x1] =	stream.indirect_vreg.gather [hbm4b:s2+s3], $0x80, v3, vm0, $0xb8;
	[tilespmem:$0x18080] =	vst v63  }
0xdb: {  	_ = 	snop  }
0xdc: {  	[tilespmem:s23], [sflag:$0x1] =	stream.indirect_vreg.gather [hbm4b:s4+s3], $0x80, v3, vm0, $0xb8;
	[tilespmem:$0x18080] =	vst v63  }
0xdd: {  	_ = 	snop  }
0xde: {  	[tilespmem:s24], [sflag:$0x1] =	stream.indirect_vreg.gather [hbm4b:s5+s3], $0x80, v3, vm0, $0xb8;
	[tilespmem:$0x18080] =	vst v63  }
0xdf: {  	_ = 	snop  }
0xe0: {  	[tilespmem:s25], [sflag:$0x1] =	stream.indirect_vreg.gather [hbm4b:s6+s3], $0x80, v3, vm0, $0xb8;
	[tilespmem:$0x18080] =	vst v63  }
0xe1: {  	_ =	swait.ge [sflag:s30], $0x8000  }
0xe2: {  	[sflag:s30] =	ssyncset.done $0x0  }
0xe3: {  	s10 =	rddreg [dreg:$0x5];
	[sflag:s30] =	ssyncadd.s32 $0xFFFF8000  }
0xe4: {  	[hbm4b:s10+s3] =	stream.linear.scatter [tilespmem:s26], [sflag:$0x5], $0x8000, $0x38;
	[tilespmem:$0x18080] =	vst v63  }
0xe5: {  	_ =	swait.ge [sflag:s31], $0x8000  }
0xe6: {  	[sflag:s31] =	ssyncset.done $0x0  }
0xe7: {  	s10 =	rddreg [dreg:$0x6];
	[sflag:s31] =	ssyncadd.s32 $0xFFFF8000  }
0xe8: {  	[hbm4b:s10+s3] =	stream.linear.scatter [tilespmem:s8], [sflag:$0x6], $0x8000, $0x38;
	[tilespmem:$0x18080] =	vst v63  }
0xe9: {  	_ =	swait.ge [sflag:s28], $0x8000  }
0xea: {  	[sflag:s28] =	ssyncset.done $0x0  }
0xeb: {  	s10 =	rddreg [dreg:$0x7];
	[sflag:s28] =	ssyncadd.s32 $0xFFFF8000  }
0xec: {  	[hbm4b:s10+s3] =	stream.linear.scatter [tilespmem:s9], [sflag:$0x4], $0x8000, $0x38;
	[tilespmem:$0x18080] =	vst v63  }
0xed: {  	p0 =	sne.s32 s7, $0x1;
	_ =	swait.ge [sflag:s1], $0x8000  }
.Ltmp0:
0xee: {  	[sflag:s1] =	ssyncset.done $0x0;
	(pc) =	sbr.rel @p0 .LBB2_1-.Ltmp0, $4  }
0xef: {  	[sflag:s1] =	ssyncadd.s32 $0xFFFF8000  }
0xf0: {  	_ =	swait.ge [sflag:s29], $0x8000  }
0xf1: {  	[sflag:s29] =	ssyncset.done $0x0  }
0xf2: {  	s7 =	sadd.s32 $0xFFFFFFFF, s7;
	[sflag:s29] =	ssyncadd.s32 $0xFFFF8000  }
0xf3: {  	_ =	sfence.sel $0x180000  }
0xf4: {  	[bflag:$0x0] =	sbarrier.arrive $0xFFFF  }
0xf5: {  	_ =	strace $0x9000004A  }
0xf6: {  	s0 =	stileid.u32;
	[bflag:$0x2] =	sbarrier.arrive $0xFFFF  }
0xf7: {  	p0 =	sne.s32 s0, $0x0;
	s0 =	rddreg [dreg:$0x2]  }
0xf8: {  	s0 =	sadd.s32 @!p0 $0x100000, s0  }
0xf9: {  	[sflag:s0] =	ssyncadd.tile.s32 @!p0 $0x1;
	_ =	shalt  }
.Lfunc_end2:
_tile_overlayer_lowered:
.L_overlay_start_2:
0xfa: {  	(tag) =	ssettag $0x2  }
0xfb: {  	s0 =	rddreg [dreg:$0x0];
	s2 =	stileid.u32  }
0xfc: {  	s1 =	rddreg [dreg:$0x1];
	p0 =	sne.s32 s2, $0x0  }
0xfd: {  	s3 =	rddreg [dreg:$0x2];
	[bflag:$0x3] =	sbarrier.arrive $0xFFFF;
	s2 =	simm.s32 @!p0 $0x1C07  }
0xfe: {  	[timem:s3], [sflag:s2] =	dma.local @!p0 [hbm:s0], s1  }
0xff: {  	s0 =	simm.s32 @!p0 $0x7  }
0x100: {  	_ =	swait.ge @!p0 [sflag:s0], s1  }
0x101: {  	s1 =	ssub.s32 @!p0 $0x0, s1;
	[sflag:s0] =	ssyncset.done @!p0 $0x0  }
0x102: {  	[sflag:s0] =	ssyncadd.s32 @!p0 s1  }
0x103: {  	[bflag:$0x3] =	sbarrier.arrive $0xFFFF  }
0x104: {  	_ =	shalt  }

</sc_bundles>
